<compile_context>
chip_gen: v7x
topology: tpu7x:2x2x1
jax: 0.10.2.dev20260603
libtpu: 0.0.44.dev20260713+nightly
codegen_flags: <defaults>
</compile_context>

<pallas_src>
import jax
import jax.numpy as jnp
from jax.experimental import pallas as pl

N = 4096
DIM = 64
R = 32
B = 256
NB = N // B


def _stats_body(d_ref, dp_ref, c_ref, cp_ref, cf_ref, gf_ref, km_ref,
                r1_ref, ek_ref, em_ref, rc_ref, rg_ref, rd_ref):
    i = pl.program_id(0)
    H = N // 2
    dp = dp_ref[...]
    dloc = d_ref[pl.ds(i * B, B), :]
    sq_p = jnp.sum(dp * dp, axis=1)
    sq_loc = jnp.sum(dloc * dloc, axis=1)
    prod = jax.lax.dot_general(dloc, dp, (((1,), (1,)), ((), ())),
                               preferred_element_type=jnp.float32)
    dist = sq_loc[:, None] + sq_p[None, :] - 2.0 * prod

    cp = cp_ref[0, :]
    cloc = c_ref[0, pl.ds(i * B, B)]
    eqa = (cloc[:, None] == cp[None, :H]).astype(jnp.int32)
    eqb = (cloc[:, None] == cp[None, H:]).astype(jnp.int32)
    a = dist[:, :H]
    b = dist[:, H:]
    le = a <= b
    lo = jnp.minimum(a, b)
    hi = jnp.maximum(a, b)
    slot2 = 2 * jax.lax.broadcasted_iota(jnp.int32, (B, H), 1)
    klo = slot2 + jnp.where(le, eqa, eqb)
    khi = slot2 + jnp.where(le, eqb, eqa)
    BIGK = jnp.int32(2 * H + 2)

    km = km_ref[0, :]
    t_iota = jax.lax.broadcasted_iota(jnp.int32, (1, R), 1)
    col = jax.lax.broadcasted_iota(jnp.int32, (B, N), 1)

    def body(t, carry):
        work, nxt, kk, cum, mapacc, recacc, r1 = carry
        m = jnp.min(work, axis=1, keepdims=True)
        skey = jnp.min(jnp.where(work == m, kk, BIGK), axis=1, keepdims=True)
        oh = kk == skey
        hit = (skey & 1).astype(jnp.float32)[:, 0]
        work = jnp.where(oh, nxt, work)
        nxt = jnp.where(oh, jnp.float32(jnp.inf), nxt)
        kk = jnp.where(oh, khi, kk)
        w = jnp.where(t > 0, jnp.float32(1.0), jnp.float32(0.0))
        cum = cum + hit * w
        tf = jnp.maximum(t, 1).astype(jnp.float32)
        prec = cum / tf
        mapacc = mapacc + prec * hit * w
        kw = jnp.sum(jnp.where(t_iota == (t - 1), km[None, :], 0.0))
        recacc = recacc + hit * w * kw
        r1 = r1 + hit * jnp.where(t == 1, jnp.float32(1.0), jnp.float32(0.0))
        return work, nxt, kk, cum, mapacc, recacc, r1

    z = jnp.zeros((B,), jnp.float32)
    _, _, _, cum, mapacc, recacc, r1 = jax.lax.fori_loop(
        0, R + 1, body, (lo, hi, klo, z, z, z, z))

    em = 1.0 - mapacc / jnp.float32(R)
    ek = 1.0 - (recacc > 0).astype(jnp.float32)

    gidx = i * B + jax.lax.broadcasted_iota(jnp.int32, (B, 1), 0)
    jlt = (col < gidx).astype(jnp.float32)

    def ranks(full_ref):
        a = full_ref[0, :][None, :]
        b = full_ref[0, pl.ds(i * B, B)][:, None]
        eqm = (a == b).astype(jnp.float32) * jlt
        lt = jnp.sum((a < b).astype(jnp.float32) + eqm, axis=1)
        gt = jnp.sum((a > b).astype(jnp.float32) + eqm, axis=1)
        return lt, gt

    rc_lt, rc_gt = ranks(cf_ref)
    rg_lt, _ = ranks(gf_ref)

    r1_ref[0, 0, :] = r1
    ek_ref[0, 0, :] = ek
    em_ref[0, 0, :] = em
    rc_ref[0, 0, :] = rc_lt
    rg_ref[0, 0, :] = rg_lt
    rd_ref[0, 0, :] = rc_gt


def _curves_body(r1_ref, ek_ref, em_ref, rc_ref, rg_ref, rd_ref,
                 o1_ref, ok_ref, om_ref, oc_ref):
    p = pl.program_id(0)
    pos = (p * B + jax.lax.broadcasted_iota(jnp.int32, (B, 1), 0)
           ).astype(jnp.float32)
    rd = rd_ref[0, :][None, :]
    mask = (rd <= pos).astype(jnp.float32)
    denom = pos[:, 0] + 1.0
    o1_ref[0, :] = jnp.sum(mask * r1_ref[0, :][None, :], axis=1) / denom
    ok_ref[0, :] = jnp.sum(mask * ek_ref[0, :][None, :], axis=1) / denom
    om_ref[0, :] = jnp.sum(mask * em_ref[0, :][None, :], axis=1) / denom

    @pl.when(p == 0)
    def _():
        rx = rc_ref[0, :]
        ry = rg_ref[0, :]
        rx = rx - jnp.mean(rx)
        ry = ry - jnp.mean(ry)
        val = (jnp.sum(rx * ry) /
               jnp.sqrt(jnp.sum(rx * rx) * jnp.sum(ry * ry)))
        oc_ref[...] = val.reshape(1, 1)


def kernel(d, c, confs, gt_confs, k):
    km = (jnp.arange(R) < k).astype(jnp.float32).reshape(1, R)
    perm = jnp.concatenate([jnp.arange(0, N, 2), jnp.arange(1, N, 2)])
    dp = d[perm]
    cp = c[perm].reshape(1, N)
    c2 = c.reshape(1, N)
    cf = confs.reshape(1, N)
    gf = gt_confs.reshape(1, N)

    stat_shape = jax.ShapeDtypeStruct((NB, 1, B), jnp.float32)
    stat_spec = pl.BlockSpec((1, 1, B), lambda i: (i, 0, 0))
    full2 = pl.BlockSpec((1, N), lambda i: (0, 0))
    r1v, ekv, emv, rcv, rgv, rdv = pl.pallas_call(
        _stats_body,
        grid=(NB,),
        in_specs=[pl.BlockSpec((N, DIM), lambda i: (0, 0)),
                  pl.BlockSpec((N, DIM), lambda i: (0, 0)),
                  full2, full2, full2, full2,
                  pl.BlockSpec((1, R), lambda i: (0, 0))],
        out_specs=[stat_spec] * 6,
        out_shape=[stat_shape] * 6,
    )(d, dp, c2, cp, cf, gf, km)

    flats = [a.reshape(1, N) for a in (r1v, ekv, emv, rcv, rgv, rdv)]
    curve_shape = jax.ShapeDtypeStruct((1, N), jnp.float32)
    curve_spec = pl.BlockSpec((1, B), lambda p: (0, p))
    o1, ok, om, oc = pl.pallas_call(
        _curves_body,
        grid=(NB,),
        in_specs=[full2] * 6,
        out_specs=[curve_spec, curve_spec, curve_spec,
                   pl.BlockSpec((1, 1), lambda p: (0, 0))],
        out_shape=[curve_shape, curve_shape, curve_shape,
                   jax.ShapeDtypeStruct((1, 1), jnp.float32)],
    )(*flats)

    return (o1.reshape(N), oc.reshape(()), ok.reshape(N), om.reshape(N))

# --- scband reference (transcript-rebuilt; emitter-appended) ---
"""Pipeline reference for scband-uncertainty-metrics-249108103603 (READ-ONLY COPY).

The authoritative reference and input builder live on the scoring server;
editing this copy changes nothing except your own understanding.
"""

import jax, jax.numpy as jnp
import numpy as np

N = 4096
DIM = 64
R = 32  # self.r from init
NUM_CLASSES = 100


def setup_inputs(seed: int = 0) -> dict:
    key = jax.random.key(seed)
    k1, k2, k3, k4 = jax.random.split(key, 4)
    d = jax.random.normal(k1, (N, DIM), dtype=jnp.float32)
    c = jax.random.randint(k2, (N,), 0, NUM_CLASSES, dtype=jnp.int32)
    confs = jax.random.uniform(k3, (N,), dtype=jnp.float32)
    gt_confs = jax.random.uniform(k4, (N,), dtype=jnp.float32)
    return {"d": d, "c": c, "confs": confs, "gt_confs": gt_confs, "k": 10}


def _ranks(x):
    # rank transform (0-based), as used by Spearman correlation
    return jnp.argsort(jnp.argsort(x)).astype(jnp.float32)


def reference(d, c, confs, gt_confs, k):
    n = d.shape[0]
    # --- IndexFlat L2 exact kNN search over the same set (self.knn_index.add(d); search(d, r+1)) ---
    sq = jnp.sum(d * d, axis=1)
    dist2 = sq[:, None] + sq[None, :] - 2.0 * (d @ d.T)
    _, inds = jax.lax.top_k(-dist2, R + 1)
    # ignore_self=True: drop the first (self) neighbor column
    inds = inds[:, 1:]  # (n, R)

    # --- get_binary_hits: bm[i, j] = 1 if c[inds[i, j]] == c[i] ---
    bm = (c[inds] == c[:, None]).astype(jnp.float32)  # (n, R)

    order = jnp.argsort(-confs)  # sort samples by confidence, descending
    denom = jnp.arange(1, n + 1, dtype=jnp.float32)

    # conf_vs_recall@1: running mean of recall@1 as confidence threshold decreases
    r1 = bm[order, 0]
    conf_vs_recall1 = jnp.cumsum(r1) / denom

    # spearmanr_corr(confs, gt_confs): Pearson correlation of ranks
    rx = _ranks(confs)
    ry = _ranks(gt_confs)
    rx = rx - jnp.mean(rx)
    ry = ry - jnp.mean(ry)
    rcorr = jnp.sum(rx * ry) / jnp.sqrt(jnp.sum(rx * rx) * jnp.sum(ry * ry))

    # erc_vs_recall@k: error-vs-rejection curve of (1 - recall@k), sorted by confidence desc
    kmask = (jnp.arange(R) < k).astype(jnp.float32)[None, :]
    recall_k = (jnp.sum(bm * kmask, axis=1) > 0).astype(jnp.float32)
    err_k = 1.0 - recall_k
    erc_recall_k = jnp.cumsum(err_k[order]) / denom

    # erc_vs_map@r: error-vs-rejection curve of (1 - MAP@R)
    cum = jnp.cumsum(bm, axis=1)
    prec = cum / jnp.arange(1, R + 1, dtype=jnp.float32)[None, :]
    mapr = jnp.sum(prec * bm, axis=1) / float(R)
    err_m = 1.0 - mapr
    erc_mapr = jnp.cumsum(err_m[order]) / denom

    return (conf_vs_recall1, rcorr, erc_recall_k, erc_mapr)

if __name__ == "__main__":
    import jax
    _d = setup_inputs()
    print(jax.jit(kernel)(*tuple(_d.values())))

</pallas_src>

<mosaic_0001>
module attributes {stable_mosaic.version = 14 : i64} {
  func.func @_stats_body(%arg0: i32, %arg1: memref<4096x64xf32, #tpu.memory_space<vmem>>, %arg2: memref<4096x64xf32, #tpu.memory_space<vmem>>, %arg3: memref<1x4096xi32, #tpu.memory_space<vmem>>, %arg4: memref<1x4096xi32, #tpu.memory_space<vmem>>, %arg5: memref<1x4096xf32, #tpu.memory_space<vmem>>, %arg6: memref<1x4096xf32, #tpu.memory_space<vmem>>, %arg7: memref<1x32xf32, #tpu.memory_space<vmem>>, %arg8: memref<1x1x256xf32, #tpu.memory_space<vmem>>, %arg9: memref<1x1x256xf32, #tpu.memory_space<vmem>>, %arg10: memref<1x1x256xf32, #tpu.memory_space<vmem>>, %arg11: memref<1x1x256xf32, #tpu.memory_space<vmem>>, %arg12: memref<1x1x256xf32, #tpu.memory_space<vmem>>, %arg13: memref<1x1x256xf32, #tpu.memory_space<vmem>>) attributes {dimension_semantics = [#tpu.dimension_semantics<arbitrary>], iteration_bounds = array<i64: 16>, scalar_prefetch = 0 : i64, scratch_operands = 0 : i64, tpu.core_type = #tpu.core_type<tc>, window_params = [{pipeline_mode = #tpu.pipeline_mode<synchronous>, transform_indices = @transform_0, window_bounds = array<i64: 4096, 64>}, {pipeline_mode = #tpu.pipeline_mode<synchronous>, transform_indices = @transform_1, window_bounds = array<i64: 4096, 64>}, {pipeline_mode = #tpu.pipeline_mode<synchronous>, transform_indices = @transform_2, window_bounds = array<i64: 1, 4096>}, {pipeline_mode = #tpu.pipeline_mode<synchronous>, transform_indices = @transform_3, window_bounds = array<i64: 1, 4096>}, {pipeline_mode = #tpu.pipeline_mode<synchronous>, transform_indices = @transform_4, window_bounds = array<i64: 1, 4096>}, {pipeline_mode = #tpu.pipeline_mode<synchronous>, transform_indices = @transform_5, window_bounds = array<i64: 1, 4096>}, {pipeline_mode = #tpu.pipeline_mode<synchronous>, transform_indices = @transform_6, window_bounds = array<i64: 1, 32>}, {transform_indices = @transform_7, window_bounds = array<i64: 1, 1, 256>}, {transform_indices = @transform_8, window_bounds = array<i64: 1, 1, 256>}, {transform_indices = @transform_9, window_bounds = array<i64: 1, 1, 256>}, {transform_indices = @transform_10, window_bounds = array<i64: 1, 1, 256>}, {transform_indices = @transform_11, window_bounds = array<i64: 1, 1, 256>}, {transform_indices = @transform_12, window_bounds = array<i64: 1, 1, 256>}]} {
    %get3A = arith.constant 0 : index
    %get3A_0 = arith.constant 0 : index
    %get3A_1 = vector.load %arg2[%get3A, %get3A_0] : memref<4096x64xf32, #tpu.memory_space<vmem>>, vector<4096x64xf32>
    %mul3A = arith.constant 256 : i32
    %mul3A_2 = arith.muli %arg0, %mul3A : i32
    %get3A_3 = arith.index_cast %mul3A_2 : i32 to index
    %get3A_4 = arith.constant 0 : index
    %get3A_5 = vector.load %arg1[%get3A_3, %get3A_4] : memref<4096x64xf32, #tpu.memory_space<vmem>>, vector<256x64xf32>
    %mul3A_6 = arith.mulf %get3A_1, %get3A_1 : vector<4096x64xf32>
    %reduce_sum3A = arith.constant dense<0.000000e+00> : vector<4096xf32>
    %reduce_sum3A_7 = vector.multi_reduction <add>, %mul3A_6, %reduce_sum3A [1] : vector<4096x64xf32> to vector<4096xf32>
    %mul3A_8 = arith.mulf %get3A_5, %get3A_5 : vector<256x64xf32>
    %reduce_sum3A_9 = arith.constant dense<0.000000e+00> : vector<256xf32>
    %reduce_sum3A_10 = vector.multi_reduction <add>, %mul3A_8, %reduce_sum3A_9 [1] : vector<256x64xf32> to vector<256xf32>
    %dot_general3A = arith.constant dense<0.000000e+00> : vector<256x4096xf32>
    %dot_general3A_11 = tpu.matmul %get3A_5, %get3A_1, %dot_general3A {dimension_numbers = #tpu.dot_dimension_numbers<[1], [1], [0], [0], [0, 0, 1, 0], [], []>, transpose_lhs_hint = false} : vector<256x64xf32>, vector<4096x64xf32>, vector<256x4096xf32> -> vector<256x4096xf32>
    %broadcast_in_dim3A = vector.shape_cast %reduce_sum3A_10 : vector<256xf32> to vector<256x1xf32>
    %broadcast_in_dim3A_12 = vector.shape_cast %reduce_sum3A_7 : vector<4096xf32> to vector<1x4096xf32>
    %add3A = vector.broadcast %broadcast_in_dim3A : vector<256x1xf32> to vector<256x4096xf32>
    %add3A_13 = vector.broadcast %broadcast_in_dim3A_12 : vector<1x4096xf32> to vector<256x4096xf32>
    %add3A_14 = arith.addf %add3A, %add3A_13 : vector<256x4096xf32>
    %mul3A_15 = arith.constant 2.000000e+00 : f32
    %mul3A_16 = vector.broadcast %mul3A_15 : f32 to vector<256x4096xf32>
    %mul3A_17 = arith.mulf %mul3A_16, %dot_general3A_11 : vector<256x4096xf32>
    %sub3A = arith.subf %add3A_14, %mul3A_17 : vector<256x4096xf32>
    %get3A_18 = arith.constant 0 : index
    %get3A_19 = arith.constant 0 : index
    %get3A_20 = vector.load %arg4[%get3A_18, %get3A_19] : memref<1x4096xi32, #tpu.memory_space<vmem>>, vector<1x4096xi32>
    %get3A_21 = vector.shape_cast %get3A_20 : vector<1x4096xi32> to vector<4096xi32>
    %mul3A_22 = arith.constant 256 : i32
    %mul3A_23 = arith.muli %arg0, %mul3A_22 : i32
    %get3A_24 = arith.constant 0 : index
    %get3A_25 = arith.index_cast %mul3A_23 : i32 to index
    %get3A_26 = vector.load %arg3[%get3A_24, %get3A_25] : memref<1x4096xi32, #tpu.memory_space<vmem>>, vector<1x256xi32>
    %get3A_27 = vector.shape_cast %get3A_26 : vector<1x256xi32> to vector<256xi32>
    %broadcast_in_dim3A_28 = vector.shape_cast %get3A_27 : vector<256xi32> to vector<256x1xi32>
    %slice3A = vector.extract_strided_slice %get3A_21 {offsets = [0], sizes = [2048], strides = [1]} : vector<4096xi32> to vector<2048xi32>
    %broadcast_in_dim3A_29 = vector.shape_cast %slice3A : vector<2048xi32> to vector<1x2048xi32>
    %eq3A = vector.broadcast %broadcast_in_dim3A_28 : vector<256x1xi32> to vector<256x2048xi32>
    %eq3A_30 = vector.broadcast %broadcast_in_dim3A_29 : vector<1x2048xi32> to vector<256x2048xi32>
    %eq3A_31 = arith.cmpi eq, %eq3A, %eq3A_30 : vector<256x2048xi32>
    %convert_element_type3A = arith.extui %eq3A_31 : vector<256x2048xi1> to vector<256x2048xi32>
    %broadcast_in_dim3A_32 = vector.shape_cast %get3A_27 : vector<256xi32> to vector<256x1xi32>
    %slice3A_33 = vector.extract_strided_slice %get3A_21 {offsets = [2048], sizes = [2048], strides = [1]} : vector<4096xi32> to vector<2048xi32>
    %broadcast_in_dim3A_34 = vector.shape_cast %slice3A_33 : vector<2048xi32> to vector<1x2048xi32>
    %eq3A_35 = vector.broadcast %broadcast_in_dim3A_32 : vector<256x1xi32> to vector<256x2048xi32>
    %eq3A_36 = vector.broadcast %broadcast_in_dim3A_34 : vector<1x2048xi32> to vector<256x2048xi32>
    %eq3A_37 = arith.cmpi eq, %eq3A_35, %eq3A_36 : vector<256x2048xi32>
    %convert_element_type3A_38 = arith.extui %eq3A_37 : vector<256x2048xi1> to vector<256x2048xi32>
    %slice3A_39 = vector.extract_strided_slice %sub3A {offsets = [0, 0], sizes = [256, 2048], strides = [1, 1]} : vector<256x4096xf32> to vector<256x2048xf32>
    %slice3A_40 = vector.extract_strided_slice %sub3A {offsets = [0, 2048], sizes = [256, 2048], strides = [1, 1]} : vector<256x4096xf32> to vector<256x2048xf32>
    %le3A = arith.cmpf ole, %slice3A_39, %slice3A_40 : vector<256x2048xf32>
    %min3A = arith.minimumf %slice3A_39, %slice3A_40 : vector<256x2048xf32>
    %max3A = arith.maximumf %slice3A_39, %slice3A_40 : vector<256x2048xf32>
    %iota3A = tpu.iota {dimensions = array<i32: 1>} : vector<256x2048xi32>
    %mul3A_41 = arith.constant 2 : i32
    %mul3A_42 = vector.broadcast %mul3A_41 : i32 to vector<256x2048xi32>
    %mul3A_43 = arith.muli %mul3A_42, %iota3A : vector<256x2048xi32>
    %select_n3A = arith.select %le3A, %convert_element_type3A, %convert_element_type3A_38 : vector<256x2048xi1>, vector<256x2048xi32>
    %add3A_44 = arith.addi %mul3A_43, %select_n3A : vector<256x2048xi32>
    %select_n3A_45 = arith.select %le3A, %convert_element_type3A_38, %convert_element_type3A : vector<256x2048xi1>, vector<256x2048xi32>
    %add3A_46 = arith.addi %mul3A_43, %select_n3A_45 : vector<256x2048xi32>
    %get3A_47 = arith.constant 0 : index
    %get3A_48 = arith.constant 0 : index
    %get3A_49 = vector.load %arg7[%get3A_47, %get3A_48] : memref<1x32xf32, #tpu.memory_space<vmem>>, vector<1x32xf32>
    %get3A_50 = vector.shape_cast %get3A_49 : vector<1x32xf32> to vector<32xf32>
    %iota3A_51 = tpu.iota {dimensions = array<i32: 1>} : vector<1x32xi32>
    %iota3A_52 = tpu.iota {dimensions = array<i32: 1>} : vector<256x4096xi32>
    %broadcast_in_dim3A_53 = arith.constant 0.000000e+00 : f32
    %broadcast_in_dim3A_54 = vector.broadcast %broadcast_in_dim3A_53 : f32 to vector<256xf32>
    %scan3A = arith.constant 4098 : i32
    %scan3A_55 = arith.constant 0 : i32
    %scan3A_56 = arith.constant 33 : i32
    %scan3A_57 = arith.addi %scan3A_55, %scan3A_56 : i32
    %scan3A_58 = arith.constant 1 : i32
    %scan3A_59:7 = scf.for %scan3A_176 = %scan3A_55 to %scan3A_57 step %scan3A_58 iter_args(%scan3A_177 = %min3A, %scan3A_178 = %max3A, %scan3A_179 = %add3A_44, %scan3A_180 = %broadcast_in_dim3A_54, %scan3A_181 = %broadcast_in_dim3A_54, %scan3A_182 = %broadcast_in_dim3A_54, %scan3A_183 = %broadcast_in_dim3A_54) -> (vector<256x2048xf32>, vector<256x2048xf32>, vector<256x2048xi32>, vector<256xf32>, vector<256xf32>, vector<256xf32>, vector<256xf32>)  : i32 {
      %reduce_min3A = arith.constant dense<0x7F800000> : vector<256xf32>
      %reduce_min3A_184 = vector.multi_reduction <minimumf>, %scan3A_177, %reduce_min3A [1] : vector<256x2048xf32> to vector<256xf32>
      %broadcast_in_dim3A_185 = vector.shape_cast %reduce_min3A_184 : vector<256xf32> to vector<256x1xf32>
      %eq3A_186 = vector.broadcast %broadcast_in_dim3A_185 : vector<256x1xf32> to vector<256x2048xf32>
      %eq3A_187 = arith.cmpf oeq, %scan3A_177, %eq3A_186 : vector<256x2048xf32>
      %broadcast_in_dim3A_188 = vector.broadcast %scan3A : i32 to vector<256x2048xi32>
      %select_n3A_189 = arith.select %eq3A_187, %scan3A_179, %broadcast_in_dim3A_188 : vector<256x2048xi1>, vector<256x2048xi32>
      %reduce_min3A_190 = arith.constant dense<2147483647> : vector<256xi32>
      %reduce_min3A_191 = vector.multi_reduction <minsi>, %select_n3A_189, %reduce_min3A_190 [1] : vector<256x2048xi32> to vector<256xi32>
      %broadcast_in_dim3A_192 = vector.shape_cast %reduce_min3A_191 : vector<256xi32> to vector<256x1xi32>
      %eq3A_193 = vector.broadcast %broadcast_in_dim3A_192 : vector<256x1xi32> to vector<256x2048xi32>
      %eq3A_194 = arith.cmpi eq, %scan3A_179, %eq3A_193 : vector<256x2048xi32>
      %and3A = arith.constant 1 : i32
      %and3A_195 = vector.broadcast %and3A : i32 to vector<256x1xi32>
      %and3A_196 = arith.andi %broadcast_in_dim3A_192, %and3A_195 : vector<256x1xi32>
      %convert_element_type3A_197 = arith.sitofp %and3A_196 : vector<256x1xi32> to vector<256x1xf32>
      %squeeze3A = vector.shape_cast %convert_element_type3A_197 : vector<256x1xf32> to vector<256xf32>
      %select_n3A_198 = arith.select %eq3A_194, %scan3A_178, %scan3A_177 : vector<256x2048xi1>, vector<256x2048xf32>
      %jit3A = arith.constant 0x7F800000 : f32
      %broadcast_in_dim3A_199 = vector.broadcast %jit3A : f32 to vector<256x2048xf32>
      %select_n3A_200 = arith.select %eq3A_194, %broadcast_in_dim3A_199, %scan3A_178 : vector<256x2048xi1>, vector<256x2048xf32>
      %select_n3A_201 = arith.select %eq3A_194, %add3A_46, %scan3A_179 : vector<256x2048xi1>, vector<256x2048xi32>
      %gt3A_202 = arith.constant 0 : i32
      %gt3A_203 = arith.cmpi sgt, %scan3A_176, %gt3A_202 : i32
      %jit3A_204 = arith.constant 1.000000e+00 : f32
      %jit3A_205 = arith.constant 0.000000e+00 : f32
      %select_n3A_206 = arith.select %gt3A_203, %jit3A_204, %jit3A_205 : f32
      %mul3A_207 = vector.broadcast %select_n3A_206 : f32 to vector<256xf32>
      %mul3A_208 = arith.mulf %squeeze3A, %mul3A_207 : vector<256xf32>
      %add3A_209 = arith.addf %scan3A_180, %mul3A_208 : vector<256xf32>
      %max3A_210 = arith.constant 1 : i32
      %max3A_211 = arith.maxsi %scan3A_176, %max3A_210 : i32
      %convert_element_type3A_212 = arith.sitofp %max3A_211 : i32 to f32
      %div3A_213 = vector.broadcast %convert_element_type3A_212 : f32 to vector<256xf32>
      %div3A_214 = arith.divf %add3A_209, %div3A_213 : vector<256xf32>
      %mul3A_215 = arith.mulf %div3A_214, %squeeze3A : vector<256xf32>
      %mul3A_216 = vector.broadcast %select_n3A_206 : f32 to vector<256xf32>
      %mul3A_217 = arith.mulf %mul3A_215, %mul3A_216 : vector<256xf32>
      %add3A_218 = arith.addf %scan3A_181, %mul3A_217 : vector<256xf32>
      %sub3A_219 = arith.constant 1 : i32
      %sub3A_220 = arith.subi %scan3A_176, %sub3A_219 : i32
      %eq3A_221 = vector.broadcast %sub3A_220 : i32 to vector<1x32xi32>
      %eq3A_222 = arith.cmpi eq, %iota3A_51, %eq3A_221 : vector<1x32xi32>
      %broadcast_in_dim3A_223 = vector.shape_cast %get3A_50 : vector<32xf32> to vector<1x32xf32>
      %jit3A_224 = arith.constant 0.000000e+00 : f32
      %broadcast_in_dim3A_225 = vector.broadcast %jit3A_224 : f32 to vector<1x32xf32>
      %select_n3A_226 = arith.select %eq3A_222, %broadcast_in_dim3A_223, %broadcast_in_dim3A_225 : vector<1x32xi1>, vector<1x32xf32>
      %reduce_sum3A_227 = vector.shape_cast %select_n3A_226 : vector<1x32xf32> to vector<1x1x32xf32>
      %reduce_sum3A_228 = arith.constant dense<0.000000e+00> : vector<1xf32>
      %reduce_sum3A_229 = vector.multi_reduction <add>, %reduce_sum3A_227, %reduce_sum3A_228 [1, 2] : vector<1x1x32xf32> to vector<1xf32>
      %reduce_sum3A_230 = vector.shape_cast %reduce_sum3A_229 : vector<1xf32> to vector<1x1x1xf32>
      %reduce_sum3A_231 = vector.extract %reduce_sum3A_230[0, 0, 0] : f32 from vector<1x1x1xf32>
      %mul3A_232 = vector.broadcast %select_n3A_206 : f32 to vector<256xf32>
      %mul3A_233 = arith.mulf %squeeze3A, %mul3A_232 : vector<256xf32>
      %mul3A_234 = vector.broadcast %reduce_sum3A_231 : f32 to vector<256xf32>
      %mul3A_235 = arith.mulf %mul3A_233, %mul3A_234 : vector<256xf32>
      %add3A_236 = arith.addf %scan3A_182, %mul3A_235 : vector<256xf32>
      %eq3A_237 = arith.constant 1 : i32
      %eq3A_238 = arith.cmpi eq, %scan3A_176, %eq3A_237 : i32
      %jit3A_239 = arith.constant 1.000000e+00 : f32
      %jit3A_240 = arith.constant 0.000000e+00 : f32
      %select_n3A_241 = arith.select %eq3A_238, %jit3A_239, %jit3A_240 : f32
      %mul3A_242 = vector.broadcast %select_n3A_241 : f32 to vector<256xf32>
      %mul3A_243 = arith.mulf %squeeze3A, %mul3A_242 : vector<256xf32>
      %add3A_244 = arith.addf %scan3A_183, %mul3A_243 : vector<256xf32>
      scf.yield %select_n3A_198, %select_n3A_200, %select_n3A_201, %add3A_209, %add3A_218, %add3A_236, %add3A_244 : vector<256x2048xf32>, vector<256x2048xf32>, vector<256x2048xi32>, vector<256xf32>, vector<256xf32>, vector<256xf32>, vector<256xf32>
    }
    %scan3A_60 = arith.constant 33 : i32
    %div3A = arith.constant 3.200000e+01 : f32
    %div3A_61 = vector.broadcast %div3A : f32 to vector<256xf32>
    %div3A_62 = arith.divf %scan3A_59#4, %div3A_61 : vector<256xf32>
    %sub3A_63 = arith.constant 1.000000e+00 : f32
    %sub3A_64 = vector.broadcast %sub3A_63 : f32 to vector<256xf32>
    %sub3A_65 = arith.subf %sub3A_64, %div3A_62 : vector<256xf32>
    %gt3A = arith.constant 0.000000e+00 : f32
    %gt3A_66 = vector.broadcast %gt3A : f32 to vector<256xf32>
    %gt3A_67 = arith.cmpf ogt, %scan3A_59#5, %gt3A_66 : vector<256xf32>
    %convert_element_type3A_68 = arith.extui %gt3A_67 : vector<256xi1> to vector<256xi32>
    %convert_element_type3A_69 = arith.sitofp %convert_element_type3A_68 : vector<256xi32> to vector<256xf32>
    %sub3A_70 = arith.constant 1.000000e+00 : f32
    %sub3A_71 = vector.broadcast %sub3A_70 : f32 to vector<256xf32>
    %sub3A_72 = arith.subf %sub3A_71, %convert_element_type3A_69 : vector<256xf32>
    %mul3A_73 = arith.constant 256 : i32
    %mul3A_74 = arith.muli %arg0, %mul3A_73 : i32
    %iota3A_75 = tpu.iota {dimensions = array<i32: 0>} : vector<256x1xi32>
    %add3A_76 = vector.broadcast %mul3A_74 : i32 to vector<256x1xi32>
    %add3A_77 = arith.addi %add3A_76, %iota3A_75 : vector<256x1xi32>
    %lt3A = vector.broadcast %add3A_77 : vector<256x1xi32> to vector<256x4096xi32>
    %lt3A_78 = arith.cmpi slt, %iota3A_52, %lt3A : vector<256x4096xi32>
    %convert_element_type3A_79 = arith.extui %lt3A_78 : vector<256x4096xi1> to vector<256x4096xi32>
    %convert_element_type3A_80 = arith.sitofp %convert_element_type3A_79 : vector<256x4096xi32> to vector<256x4096xf32>
    %get3A_81 = arith.constant 0 : index
    %get3A_82 = arith.constant 0 : index
    %get3A_83 = vector.load %arg5[%get3A_81, %get3A_82] : memref<1x4096xf32, #tpu.memory_space<vmem>>, vector<1x4096xf32>
    %get3A_84 = vector.shape_cast %get3A_83 : vector<1x4096xf32> to vector<4096xf32>
    %broadcast_in_dim3A_85 = vector.shape_cast %get3A_84 : vector<4096xf32> to vector<1x4096xf32>
    %mul3A_86 = arith.constant 256 : i32
    %mul3A_87 = arith.muli %arg0, %mul3A_86 : i32
    %get3A_88 = arith.constant 0 : index
    %get3A_89 = arith.index_cast %mul3A_87 : i32 to index
    %get3A_90 = vector.load %arg5[%get3A_88, %get3A_89] : memref<1x4096xf32, #tpu.memory_space<vmem>>, vector<1x256xf32>
    %get3A_91 = vector.shape_cast %get3A_90 : vector<1x256xf32> to vector<256xf32>
    %broadcast_in_dim3A_92 = vector.shape_cast %get3A_91 : vector<256xf32> to vector<256x1xf32>
    %eq3A_93 = vector.broadcast %broadcast_in_dim3A_85 : vector<1x4096xf32> to vector<256x4096xf32>
    %eq3A_94 = vector.broadcast %broadcast_in_dim3A_92 : vector<256x1xf32> to vector<256x4096xf32>
    %eq3A_95 = arith.cmpf oeq, %eq3A_93, %eq3A_94 : vector<256x4096xf32>
    %convert_element_type3A_96 = arith.extui %eq3A_95 : vector<256x4096xi1> to vector<256x4096xi32>
    %convert_element_type3A_97 = arith.sitofp %convert_element_type3A_96 : vector<256x4096xi32> to vector<256x4096xf32>
    %mul3A_98 = arith.mulf %convert_element_type3A_97, %convert_element_type3A_80 : vector<256x4096xf32>
    %lt3A_99 = vector.broadcast %broadcast_in_dim3A_85 : vector<1x4096xf32> to vector<256x4096xf32>
    %lt3A_100 = vector.broadcast %broadcast_in_dim3A_92 : vector<256x1xf32> to vector<256x4096xf32>
    %lt3A_101 = arith.cmpf olt, %lt3A_99, %lt3A_100 : vector<256x4096xf32>
    %convert_element_type3A_102 = arith.extui %lt3A_101 : vector<256x4096xi1> to vector<256x4096xi32>
    %convert_element_type3A_103 = arith.sitofp %convert_element_type3A_102 : vector<256x4096xi32> to vector<256x4096xf32>
    %add3A_104 = arith.addf %convert_element_type3A_103, %mul3A_98 : vector<256x4096xf32>
    %reduce_sum3A_105 = arith.constant dense<0.000000e+00> : vector<256xf32>
    %reduce_sum3A_106 = vector.multi_reduction <add>, %add3A_104, %reduce_sum3A_105 [1] : vector<256x4096xf32> to vector<256xf32>
    %gt3A_107 = vector.broadcast %broadcast_in_dim3A_85 : vector<1x4096xf32> to vector<256x4096xf32>
    %gt3A_108 = vector.broadcast %broadcast_in_dim3A_92 : vector<256x1xf32> to vector<256x4096xf32>
    %gt3A_109 = arith.cmpf ogt, %gt3A_107, %gt3A_108 : vector<256x4096xf32>
    %convert_element_type3A_110 = arith.extui %gt3A_109 : vector<256x4096xi1> to vector<256x4096xi32>
    %convert_element_type3A_111 = arith.sitofp %convert_element_type3A_110 : vector<256x4096xi32> to vector<256x4096xf32>
    %add3A_112 = arith.addf %convert_element_type3A_111, %mul3A_98 : vector<256x4096xf32>
    %reduce_sum3A_113 = arith.constant dense<0.000000e+00> : vector<256xf32>
    %reduce_sum3A_114 = vector.multi_reduction <add>, %add3A_112, %reduce_sum3A_113 [1] : vector<256x4096xf32> to vector<256xf32>
    %get3A_115 = arith.constant 0 : index
    %get3A_116 = arith.constant 0 : index
    %get3A_117 = vector.load %arg6[%get3A_115, %get3A_116] : memref<1x4096xf32, #tpu.memory_space<vmem>>, vector<1x4096xf32>
    %get3A_118 = vector.shape_cast %get3A_117 : vector<1x4096xf32> to vector<4096xf32>
    %broadcast_in_dim3A_119 = vector.shape_cast %get3A_118 : vector<4096xf32> to vector<1x4096xf32>
    %mul3A_120 = arith.constant 256 : i32
    %mul3A_121 = arith.muli %arg0, %mul3A_120 : i32
    %get3A_122 = arith.constant 0 : index
    %get3A_123 = arith.index_cast %mul3A_121 : i32 to index
    %get3A_124 = vector.load %arg6[%get3A_122, %get3A_123] : memref<1x4096xf32, #tpu.memory_space<vmem>>, vector<1x256xf32>
    %get3A_125 = vector.shape_cast %get3A_124 : vector<1x256xf32> to vector<256xf32>
    %broadcast_in_dim3A_126 = vector.shape_cast %get3A_125 : vector<256xf32> to vector<256x1xf32>
    %eq3A_127 = vector.broadcast %broadcast_in_dim3A_119 : vector<1x4096xf32> to vector<256x4096xf32>
    %eq3A_128 = vector.broadcast %broadcast_in_dim3A_126 : vector<256x1xf32> to vector<256x4096xf32>
    %eq3A_129 = arith.cmpf oeq, %eq3A_127, %eq3A_128 : vector<256x4096xf32>
    %convert_element_type3A_130 = arith.extui %eq3A_129 : vector<256x4096xi1> to vector<256x4096xi32>
    %convert_element_type3A_131 = arith.sitofp %convert_element_type3A_130 : vector<256x4096xi32> to vector<256x4096xf32>
    %mul3A_132 = arith.mulf %convert_element_type3A_131, %convert_element_type3A_80 : vector<256x4096xf32>
    %lt3A_133 = vector.broadcast %broadcast_in_dim3A_119 : vector<1x4096xf32> to vector<256x4096xf32>
    %lt3A_134 = vector.broadcast %broadcast_in_dim3A_126 : vector<256x1xf32> to vector<256x4096xf32>
    %lt3A_135 = arith.cmpf olt, %lt3A_133, %lt3A_134 : vector<256x4096xf32>
    %convert_element_type3A_136 = arith.extui %lt3A_135 : vector<256x4096xi1> to vector<256x4096xi32>
    %convert_element_type3A_137 = arith.sitofp %convert_element_type3A_136 : vector<256x4096xi32> to vector<256x4096xf32>
    %add3A_138 = arith.addf %convert_element_type3A_137, %mul3A_132 : vector<256x4096xf32>
    %reduce_sum3A_139 = arith.constant dense<0.000000e+00> : vector<256xf32>
    %reduce_sum3A_140 = vector.multi_reduction <add>, %add3A_138, %reduce_sum3A_139 [1] : vector<256x4096xf32> to vector<256xf32>
    %swap3A = arith.constant 0 : index
    %swap3A_141 = arith.constant 0 : index
    %swap3A_142 = arith.constant 0 : index
    %swap3A_143 = vector.load %arg8[%swap3A, %swap3A_141, %swap3A_142] : memref<1x1x256xf32, #tpu.memory_space<vmem>>, vector<1x1x256xf32>
    %swap3A_144 = vector.shape_cast %swap3A_143 : vector<1x1x256xf32> to vector<256xf32>
    %swap3A_145 = vector.shape_cast %scan3A_59#6 : vector<256xf32> to vector<1x1x256xf32>
    tpu.vector_store %arg8[%swap3A, %swap3A_141, %swap3A_142], %swap3A_145 {strides = array<i32>} : memref<1x1x256xf32, #tpu.memory_space<vmem>>, vector<1x1x256xf32>,
    %swap3A_146 = arith.constant 0 : index
    %swap3A_147 = arith.constant 0 : index
    %swap3A_148 = arith.constant 0 : index
    %swap3A_149 = vector.load %arg9[%swap3A_146, %swap3A_147, %swap3A_148] : memref<1x1x256xf32, #tpu.memory_space<vmem>>, vector<1x1x256xf32>
    %swap3A_150 = vector.shape_cast %swap3A_149 : vector<1x1x256xf32> to vector<256xf32>
    %swap3A_151 = vector.shape_cast %sub3A_72 : vector<256xf32> to vector<1x1x256xf32>
    tpu.vector_store %arg9[%swap3A_146, %swap3A_147, %swap3A_148], %swap3A_151 {strides = array<i32>} : memref<1x1x256xf32, #tpu.memory_space<vmem>>, vector<1x1x256xf32>,
    %swap3A_152 = arith.constant 0 : index
    %swap3A_153 = arith.constant 0 : index
    %swap3A_154 = arith.constant 0 : index
    %swap3A_155 = vector.load %arg10[%swap3A_152, %swap3A_153, %swap3A_154] : memref<1x1x256xf32, #tpu.memory_space<vmem>>, vector<1x1x256xf32>
    %swap3A_156 = vector.shape_cast %swap3A_155 : vector<1x1x256xf32> to vector<256xf32>
    %swap3A_157 = vector.shape_cast %sub3A_65 : vector<256xf32> to vector<1x1x256xf32>
    tpu.vector_store %arg10[%swap3A_152, %swap3A_153, %swap3A_154], %swap3A_157 {strides = array<i32>} : memref<1x1x256xf32, #tpu.memory_space<vmem>>, vector<1x1x256xf32>,
    %swap3A_158 = arith.constant 0 : index
    %swap3A_159 = arith.constant 0 : index
    %swap3A_160 = arith.constant 0 : index
    %swap3A_161 = vector.load %arg11[%swap3A_158, %swap3A_159, %swap3A_160] : memref<1x1x256xf32, #tpu.memory_space<vmem>>, vector<1x1x256xf32>
    %swap3A_162 = vector.shape_cast %swap3A_161 : vector<1x1x256xf32> to vector<256xf32>
    %swap3A_163 = vector.shape_cast %reduce_sum3A_106 : vector<256xf32> to vector<1x1x256xf32>
    tpu.vector_store %arg11[%swap3A_158, %swap3A_159, %swap3A_160], %swap3A_163 {strides = array<i32>} : memref<1x1x256xf32, #tpu.memory_space<vmem>>, vector<1x1x256xf32>,
    %swap3A_164 = arith.constant 0 : index
    %swap3A_165 = arith.constant 0 : index
    %swap3A_166 = arith.constant 0 : index
    %swap3A_167 = vector.load %arg12[%swap3A_164, %swap3A_165, %swap3A_166] : memref<1x1x256xf32, #tpu.memory_space<vmem>>, vector<1x1x256xf32>
    %swap3A_168 = vector.shape_cast %swap3A_167 : vector<1x1x256xf32> to vector<256xf32>
    %swap3A_169 = vector.shape_cast %reduce_sum3A_140 : vector<256xf32> to vector<1x1x256xf32>
    tpu.vector_store %arg12[%swap3A_164, %swap3A_165, %swap3A_166], %swap3A_169 {strides = array<i32>} : memref<1x1x256xf32, #tpu.memory_space<vmem>>, vector<1x1x256xf32>,
    %swap3A_170 = arith.constant 0 : index
    %swap3A_171 = arith.constant 0 : index
    %swap3A_172 = arith.constant 0 : index
    %swap3A_173 = vector.load %arg13[%swap3A_170, %swap3A_171, %swap3A_172] : memref<1x1x256xf32, #tpu.memory_space<vmem>>, vector<1x1x256xf32>
    %swap3A_174 = vector.shape_cast %swap3A_173 : vector<1x1x256xf32> to vector<256xf32>
    %swap3A_175 = vector.shape_cast %reduce_sum3A_114 : vector<256xf32> to vector<1x1x256xf32>
    tpu.vector_store %arg13[%swap3A_170, %swap3A_171, %swap3A_172], %swap3A_175 {strides = array<i32>} : memref<1x1x256xf32, #tpu.memory_space<vmem>>, vector<1x1x256xf32>,
    return
  }
  func.func @transform_0(%arg0: i32) -> (i32, i32) {
    %c0_i32 = arith.constant 0 : i32
    %c0_i32_0 = arith.constant 0 : i32
    %c0_i32_1 = arith.constant 0 : i32
    return %c0_i32, %c0_i32_0 : i32, i32
  }
  func.func @transform_1(%arg0: i32) -> (i32, i32) {
    %c0_i32 = arith.constant 0 : i32
    %c0_i32_0 = arith.constant 0 : i32
    %c0_i32_1 = arith.constant 0 : i32
    return %c0_i32, %c0_i32_0 : i32, i32
  }
  func.func @transform_2(%arg0: i32) -> (i32, i32) {
    %c0_i32 = arith.constant 0 : i32
    %c0_i32_0 = arith.constant 0 : i32
    %c0_i32_1 = arith.constant 0 : i32
    return %c0_i32, %c0_i32_0 : i32, i32
  }
  func.func @transform_3(%arg0: i32) -> (i32, i32) {
    %c0_i32 = arith.constant 0 : i32
    %c0_i32_0 = arith.constant 0 : i32
    %c0_i32_1 = arith.constant 0 : i32
    return %c0_i32, %c0_i32_0 : i32, i32
  }
  func.func @transform_4(%arg0: i32) -> (i32, i32) {
    %c0_i32 = arith.constant 0 : i32
    %c0_i32_0 = arith.constant 0 : i32
    %c0_i32_1 = arith.constant 0 : i32
    return %c0_i32, %c0_i32_0 : i32, i32
  }
  func.func @transform_5(%arg0: i32) -> (i32, i32) {
    %c0_i32 = arith.constant 0 : i32
    %c0_i32_0 = arith.constant 0 : i32
    %c0_i32_1 = arith.constant 0 : i32
    return %c0_i32, %c0_i32_0 : i32, i32
  }
  func.func @transform_6(%arg0: i32) -> (i32, i32) {
    %c0_i32 = arith.constant 0 : i32
    %c0_i32_0 = arith.constant 0 : i32
    %c0_i32_1 = arith.constant 0 : i32
    return %c0_i32, %c0_i32_0 : i32, i32
  }
  func.func @transform_7(%arg0: i32) -> (i32, i32, i32) {
    %c0_i32 = arith.constant 0 : i32
    %c0_i32_0 = arith.constant 0 : i32
    %c0_i32_1 = arith.constant 0 : i32
    return %arg0, %c0_i32, %c0_i32_0 : i32, i32, i32
  }
  func.func @transform_8(%arg0: i32) -> (i32, i32, i32) {
    %c0_i32 = arith.constant 0 : i32
    %c0_i32_0 = arith.constant 0 : i32
    %c0_i32_1 = arith.constant 0 : i32
    return %arg0, %c0_i32, %c0_i32_0 : i32, i32, i32
  }
  func.func @transform_9(%arg0: i32) -> (i32, i32, i32) {
    %c0_i32 = arith.constant 0 : i32
    %c0_i32_0 = arith.constant 0 : i32
    %c0_i32_1 = arith.constant 0 : i32
    return %arg0, %c0_i32, %c0_i32_0 : i32, i32, i32
  }
  func.func @transform_10(%arg0: i32) -> (i32, i32, i32) {
    %c0_i32 = arith.constant 0 : i32
    %c0_i32_0 = arith.constant 0 : i32
    %c0_i32_1 = arith.constant 0 : i32
    return %arg0, %c0_i32, %c0_i32_0 : i32, i32, i32
  }
  func.func @transform_11(%arg0: i32) -> (i32, i32, i32) {
    %c0_i32 = arith.constant 0 : i32
    %c0_i32_0 = arith.constant 0 : i32
    %c0_i32_1 = arith.constant 0 : i32
    return %arg0, %c0_i32, %c0_i32_0 : i32, i32, i32
  }
  func.func @transform_12(%arg0: i32) -> (i32, i32, i32) {
    %c0_i32 = arith.constant 0 : i32
    %c0_i32_0 = arith.constant 0 : i32
    %c0_i32_1 = arith.constant 0 : i32
    return %arg0, %c0_i32, %c0_i32_0 : i32, i32, i32
  }
}

module attributes {stable_mosaic.version = 14 : i64} {
  func.func @_curves_body(%arg0: i32, %arg1: memref<1x4096xf32, #tpu.memory_space<vmem>>, %arg2: memref<1x4096xf32, #tpu.memory_space<vmem>>, %arg3: memref<1x4096xf32, #tpu.memory_space<vmem>>, %arg4: memref<1x4096xf32, #tpu.memory_space<vmem>>, %arg5: memref<1x4096xf32, #tpu.memory_space<vmem>>, %arg6: memref<1x4096xf32, #tpu.memory_space<vmem>>, %arg7: memref<1x256xf32, #tpu.memory_space<vmem>>, %arg8: memref<1x256xf32, #tpu.memory_space<vmem>>, %arg9: memref<1x256xf32, #tpu.memory_space<vmem>>, %arg10: memref<1x1xf32, #tpu.memory_space<vmem>>) attributes {dimension_semantics = [#tpu.dimension_semantics<arbitrary>], iteration_bounds = array<i64: 16>, scalar_prefetch = 0 : i64, scratch_operands = 0 : i64, tpu.core_type = #tpu.core_type<tc>, window_params = [{pipeline_mode = #tpu.pipeline_mode<synchronous>, transform_indices = @transform_0, window_bounds = array<i64: 1, 4096>}, {pipeline_mode = #tpu.pipeline_mode<synchronous>, transform_indices = @transform_1, window_bounds = array<i64: 1, 4096>}, {pipeline_mode = #tpu.pipeline_mode<synchronous>, transform_indices = @transform_2, window_bounds = array<i64: 1, 4096>}, {pipeline_mode = #tpu.pipeline_mode<synchronous>, transform_indices = @transform_3, window_bounds = array<i64: 1, 4096>}, {pipeline_mode = #tpu.pipeline_mode<synchronous>, transform_indices = @transform_4, window_bounds = array<i64: 1, 4096>}, {pipeline_mode = #tpu.pipeline_mode<synchronous>, transform_indices = @transform_5, window_bounds = array<i64: 1, 4096>}, {transform_indices = @transform_6, window_bounds = array<i64: 1, 256>}, {transform_indices = @transform_7, window_bounds = array<i64: 1, 256>}, {transform_indices = @transform_8, window_bounds = array<i64: 1, 256>}, {pipeline_mode = #tpu.pipeline_mode<synchronous>, transform_indices = @transform_9, window_bounds = array<i64: 1, 1>}]} {
    %mul3A = arith.constant 256 : i32
    %mul3A_0 = arith.muli %arg0, %mul3A : i32
    %iota3A = tpu.iota {dimensions = array<i32: 0>} : vector<256x1xi32>
    %add3A = vector.broadcast %mul3A_0 : i32 to vector<256x1xi32>
    %add3A_1 = arith.addi %add3A, %iota3A : vector<256x1xi32>
    %convert_element_type3A = arith.sitofp %add3A_1 : vector<256x1xi32> to vector<256x1xf32>
    %get3A = arith.constant 0 : index
    %get3A_2 = arith.constant 0 : index
    %get3A_3 = vector.load %arg6[%get3A, %get3A_2] : memref<1x4096xf32, #tpu.memory_space<vmem>>, vector<1x4096xf32>
    %get3A_4 = vector.shape_cast %get3A_3 : vector<1x4096xf32> to vector<4096xf32>
    %broadcast_in_dim3A = vector.shape_cast %get3A_4 : vector<4096xf32> to vector<1x4096xf32>
    %le3A = vector.broadcast %broadcast_in_dim3A : vector<1x4096xf32> to vector<256x4096xf32>
    %le3A_5 = vector.broadcast %convert_element_type3A : vector<256x1xf32> to vector<256x4096xf32>
    %le3A_6 = arith.cmpf ole, %le3A, %le3A_5 : vector<256x4096xf32>
    %convert_element_type3A_7 = arith.extui %le3A_6 : vector<256x4096xi1> to vector<256x4096xi32>
    %convert_element_type3A_8 = arith.sitofp %convert_element_type3A_7 : vector<256x4096xi32> to vector<256x4096xf32>
    %squeeze3A = vector.shape_cast %convert_element_type3A : vector<256x1xf32> to vector<256xf32>
    %add3A_9 = arith.constant 1.000000e+00 : f32
    %add3A_10 = vector.broadcast %add3A_9 : f32 to vector<256xf32>
    %add3A_11 = arith.addf %squeeze3A, %add3A_10 : vector<256xf32>
    %get3A_12 = arith.constant 0 : index
    %get3A_13 = arith.constant 0 : index
    %get3A_14 = vector.load %arg1[%get3A_12, %get3A_13] : memref<1x4096xf32, #tpu.memory_space<vmem>>, vector<1x4096xf32>
    %get3A_15 = vector.shape_cast %get3A_14 : vector<1x4096xf32> to vector<4096xf32>
    %broadcast_in_dim3A_16 = vector.shape_cast %get3A_15 : vector<4096xf32> to vector<1x4096xf32>
    %mul3A_17 = vector.broadcast %broadcast_in_dim3A_16 : vector<1x4096xf32> to vector<256x4096xf32>
    %mul3A_18 = arith.mulf %convert_element_type3A_8, %mul3A_17 : vector<256x4096xf32>
    %reduce_sum3A = arith.constant dense<0.000000e+00> : vector<256xf32>
    %reduce_sum3A_19 = vector.multi_reduction <add>, %mul3A_18, %reduce_sum3A [1] : vector<256x4096xf32> to vector<256xf32>
    %div3A = arith.divf %reduce_sum3A_19, %add3A_11 : vector<256xf32>
    %swap3A = arith.constant 0 : index
    %swap3A_20 = arith.constant 0 : index
    %swap3A_21 = vector.load %arg7[%swap3A, %swap3A_20] : memref<1x256xf32, #tpu.memory_space<vmem>>, vector<1x256xf32>
    %swap3A_22 = vector.shape_cast %swap3A_21 : vector<1x256xf32> to vector<256xf32>
    %swap3A_23 = vector.shape_cast %div3A : vector<256xf32> to vector<1x256xf32>
    tpu.vector_store %arg7[%swap3A, %swap3A_20], %swap3A_23 {strides = array<i32>} : memref<1x256xf32, #tpu.memory_space<vmem>>, vector<1x256xf32>,
    %get3A_24 = arith.constant 0 : index
    %get3A_25 = arith.constant 0 : index
    %get3A_26 = vector.load %arg2[%get3A_24, %get3A_25] : memref<1x4096xf32, #tpu.memory_space<vmem>>, vector<1x4096xf32>
    %get3A_27 = vector.shape_cast %get3A_26 : vector<1x4096xf32> to vector<4096xf32>
    %broadcast_in_dim3A_28 = vector.shape_cast %get3A_27 : vector<4096xf32> to vector<1x4096xf32>
    %mul3A_29 = vector.broadcast %broadcast_in_dim3A_28 : vector<1x4096xf32> to vector<256x4096xf32>
    %mul3A_30 = arith.mulf %convert_element_type3A_8, %mul3A_29 : vector<256x4096xf32>
    %reduce_sum3A_31 = arith.constant dense<0.000000e+00> : vector<256xf32>
    %reduce_sum3A_32 = vector.multi_reduction <add>, %mul3A_30, %reduce_sum3A_31 [1] : vector<256x4096xf32> to vector<256xf32>
    %div3A_33 = arith.divf %reduce_sum3A_32, %add3A_11 : vector<256xf32>
    %swap3A_34 = arith.constant 0 : index
    %swap3A_35 = arith.constant 0 : index
    %swap3A_36 = vector.load %arg8[%swap3A_34, %swap3A_35] : memref<1x256xf32, #tpu.memory_space<vmem>>, vector<1x256xf32>
    %swap3A_37 = vector.shape_cast %swap3A_36 : vector<1x256xf32> to vector<256xf32>
    %swap3A_38 = vector.shape_cast %div3A_33 : vector<256xf32> to vector<1x256xf32>
    tpu.vector_store %arg8[%swap3A_34, %swap3A_35], %swap3A_38 {strides = array<i32>} : memref<1x256xf32, #tpu.memory_space<vmem>>, vector<1x256xf32>,
    %get3A_39 = arith.constant 0 : index
    %get3A_40 = arith.constant 0 : index
    %get3A_41 = vector.load %arg3[%get3A_39, %get3A_40] : memref<1x4096xf32, #tpu.memory_space<vmem>>, vector<1x4096xf32>
    %get3A_42 = vector.shape_cast %get3A_41 : vector<1x4096xf32> to vector<4096xf32>
    %broadcast_in_dim3A_43 = vector.shape_cast %get3A_42 : vector<4096xf32> to vector<1x4096xf32>
    %mul3A_44 = vector.broadcast %broadcast_in_dim3A_43 : vector<1x4096xf32> to vector<256x4096xf32>
    %mul3A_45 = arith.mulf %convert_element_type3A_8, %mul3A_44 : vector<256x4096xf32>
    %reduce_sum3A_46 = arith.constant dense<0.000000e+00> : vector<256xf32>
    %reduce_sum3A_47 = vector.multi_reduction <add>, %mul3A_45, %reduce_sum3A_46 [1] : vector<256x4096xf32> to vector<256xf32>
    %div3A_48 = arith.divf %reduce_sum3A_47, %add3A_11 : vector<256xf32>
    %swap3A_49 = arith.constant 0 : index
    %swap3A_50 = arith.constant 0 : index
    %swap3A_51 = vector.load %arg9[%swap3A_49, %swap3A_50] : memref<1x256xf32, #tpu.memory_space<vmem>>, vector<1x256xf32>
    %swap3A_52 = vector.shape_cast %swap3A_51 : vector<1x256xf32> to vector<256xf32>
    %swap3A_53 = vector.shape_cast %div3A_48 : vector<256xf32> to vector<1x256xf32>
    tpu.vector_store %arg9[%swap3A_49, %swap3A_50], %swap3A_53 {strides = array<i32>} : memref<1x256xf32, #tpu.memory_space<vmem>>, vector<1x256xf32>,
    %eq3A = arith.constant 0 : i32
    %eq3A_54 = arith.cmpi eq, %arg0, %eq3A : i32
    %convert_element_type3A_55 = arith.extui %eq3A_54 : i1 to i32
    %cond3A = arith.constant 0 : i32
    %cond3A_56 = arith.cmpi ne, %convert_element_type3A_55, %cond3A : i32
    scf.if %cond3A_56 {
      %get3A_57 = arith.constant 0 : index
      %get3A_58 = arith.constant 0 : index
      %get3A_59 = vector.load %arg4[%get3A_57, %get3A_58] : memref<1x4096xf32, #tpu.memory_space<vmem>>, vector<1x4096xf32>
      %get3A_60 = vector.shape_cast %get3A_59 : vector<1x4096xf32> to vector<4096xf32>
      %get3A_61 = arith.constant 0 : index
      %get3A_62 = arith.constant 0 : index
      %get3A_63 = vector.load %arg5[%get3A_61, %get3A_62] : memref<1x4096xf32, #tpu.memory_space<vmem>>, vector<1x4096xf32>
      %get3A_64 = vector.shape_cast %get3A_63 : vector<1x4096xf32> to vector<4096xf32>
      %reduce_sum3A_65 = vector.shape_cast %get3A_60 : vector<4096xf32> to vector<1x4096xf32>
      %reduce_sum3A_66 = arith.constant dense<0.000000e+00> : vector<1xf32>
      %reduce_sum3A_67 = vector.multi_reduction <add>, %reduce_sum3A_65, %reduce_sum3A_66 [1] : vector<1x4096xf32> to vector<1xf32>
      %reduce_sum3A_68 = vector.shape_cast %reduce_sum3A_67 : vector<1xf32> to vector<1x1xf32>
      %reduce_sum3A_69 = vector.extract %reduce_sum3A_68[0, 0] : f32 from vector<1x1xf32>
      %div3A_70 = arith.constant 4.096000e+03 : f32
      %div3A_71 = arith.divf %reduce_sum3A_69, %div3A_70 : f32
      %sub3A = vector.broadcast %div3A_71 : f32 to vector<4096xf32>
      %sub3A_72 = arith.subf %get3A_60, %sub3A : vector<4096xf32>
      %reduce_sum3A_73 = vector.shape_cast %get3A_64 : vector<4096xf32> to vector<1x4096xf32>
      %reduce_sum3A_74 = arith.constant dense<0.000000e+00> : vector<1xf32>
      %reduce_sum3A_75 = vector.multi_reduction <add>, %reduce_sum3A_73, %reduce_sum3A_74 [1] : vector<1x4096xf32> to vector<1xf32>
      %reduce_sum3A_76 = vector.shape_cast %reduce_sum3A_75 : vector<1xf32> to vector<1x1xf32>
      %reduce_sum3A_77 = vector.extract %reduce_sum3A_76[0, 0] : f32 from vector<1x1xf32>
      %div3A_78 = arith.constant 4.096000e+03 : f32
      %div3A_79 = arith.divf %reduce_sum3A_77, %div3A_78 : f32
      %sub3A_80 = vector.broadcast %div3A_79 : f32 to vector<4096xf32>
      %sub3A_81 = arith.subf %get3A_64, %sub3A_80 : vector<4096xf32>
      %mul3A_82 = arith.mulf %sub3A_72, %sub3A_81 : vector<4096xf32>
      %reduce_sum3A_83 = vector.shape_cast %mul3A_82 : vector<4096xf32> to vector<1x4096xf32>
      %reduce_sum3A_84 = arith.constant dense<0.000000e+00> : vector<1xf32>
      %reduce_sum3A_85 = vector.multi_reduction <add>, %reduce_sum3A_83, %reduce_sum3A_84 [1] : vector<1x4096xf32> to vector<1xf32>
      %reduce_sum3A_86 = vector.shape_cast %reduce_sum3A_85 : vector<1xf32> to vector<1x1xf32>
      %reduce_sum3A_87 = vector.extract %reduce_sum3A_86[0, 0] : f32 from vector<1x1xf32>
      %mul3A_88 = arith.mulf %sub3A_72, %sub3A_72 : vector<4096xf32>
      %reduce_sum3A_89 = vector.shape_cast %mul3A_88 : vector<4096xf32> to vector<1x4096xf32>
      %reduce_sum3A_90 = arith.constant dense<0.000000e+00> : vector<1xf32>
      %reduce_sum3A_91 = vector.multi_reduction <add>, %reduce_sum3A_89, %reduce_sum3A_90 [1] : vector<1x4096xf32> to vector<1xf32>
      %reduce_sum3A_92 = vector.shape_cast %reduce_sum3A_91 : vector<1xf32> to vector<1x1xf32>
      %reduce_sum3A_93 = vector.extract %reduce_sum3A_92[0, 0] : f32 from vector<1x1xf32>
      %mul3A_94 = arith.mulf %sub3A_81, %sub3A_81 : vector<4096xf32>
      %reduce_sum3A_95 = vector.shape_cast %mul3A_94 : vector<4096xf32> to vector<1x4096xf32>
      %reduce_sum3A_96 = arith.constant dense<0.000000e+00> : vector<1xf32>
      %reduce_sum3A_97 = vector.multi_reduction <add>, %reduce_sum3A_95, %reduce_sum3A_96 [1] : vector<1x4096xf32> to vector<1xf32>
      %reduce_sum3A_98 = vector.shape_cast %reduce_sum3A_97 : vector<1xf32> to vector<1x1xf32>
      %reduce_sum3A_99 = vector.extract %reduce_sum3A_98[0, 0] : f32 from vector<1x1xf32>
      %mul3A_100 = arith.mulf %reduce_sum3A_93, %reduce_sum3A_99 : f32
      %sqrt3A = math.sqrt %mul3A_100 : f32
      %div3A_101 = arith.divf %reduce_sum3A_87, %sqrt3A : f32
      %reshape3A = vector.broadcast %div3A_101 : f32 to vector<1x1xf32>
      %swap3A_102 = arith.constant 0 : index
      %swap3A_103 = arith.constant 0 : index
      %swap3A_104 = vector.load %arg10[%swap3A_102, %swap3A_103] : memref<1x1xf32, #tpu.memory_space<vmem>>, vector<1x1xf32>
      tpu.vector_store %arg10[%swap3A_102, %swap3A_103], %reshape3A {strides = array<i32>} : memref<1x1xf32, #tpu.memory_space<vmem>>, vector<1x1xf32>,
    } else {
    }
    return
  }
  func.func @transform_0(%arg0: i32) -> (i32, i32) {
    %c0_i32 = arith.constant 0 : i32
    %c0_i32_0 = arith.constant 0 : i32
    %c0_i32_1 = arith.constant 0 : i32
    return %c0_i32, %c0_i32_0 : i32, i32
  }
  func.func @transform_1(%arg0: i32) -> (i32, i32) {
    %c0_i32 = arith.constant 0 : i32
    %c0_i32_0 = arith.constant 0 : i32
    %c0_i32_1 = arith.constant 0 : i32
    return %c0_i32, %c0_i32_0 : i32, i32
  }
  func.func @transform_2(%arg0: i32) -> (i32, i32) {
    %c0_i32 = arith.constant 0 : i32
    %c0_i32_0 = arith.constant 0 : i32
    %c0_i32_1 = arith.constant 0 : i32
    return %c0_i32, %c0_i32_0 : i32, i32
  }
  func.func @transform_3(%arg0: i32) -> (i32, i32) {
    %c0_i32 = arith.constant 0 : i32
    %c0_i32_0 = arith.constant 0 : i32
    %c0_i32_1 = arith.constant 0 : i32
    return %c0_i32, %c0_i32_0 : i32, i32
  }
  func.func @transform_4(%arg0: i32) -> (i32, i32) {
    %c0_i32 = arith.constant 0 : i32
    %c0_i32_0 = arith.constant 0 : i32
    %c0_i32_1 = arith.constant 0 : i32
    return %c0_i32, %c0_i32_0 : i32, i32
  }
  func.func @transform_5(%arg0: i32) -> (i32, i32) {
    %c0_i32 = arith.constant 0 : i32
    %c0_i32_0 = arith.constant 0 : i32
    %c0_i32_1 = arith.constant 0 : i32
    return %c0_i32, %c0_i32_0 : i32, i32
  }
  func.func @transform_6(%arg0: i32) -> (i32, i32) {
    %c0_i32 = arith.constant 0 : i32
    %c0_i32_0 = arith.constant 0 : i32
    return %c0_i32, %arg0 : i32, i32
  }
  func.func @transform_7(%arg0: i32) -> (i32, i32) {
    %c0_i32 = arith.constant 0 : i32
    %c0_i32_0 = arith.constant 0 : i32
    return %c0_i32, %arg0 : i32, i32
  }
  func.func @transform_8(%arg0: i32) -> (i32, i32) {
    %c0_i32 = arith.constant 0 : i32
    %c0_i32_0 = arith.constant 0 : i32
    return %c0_i32, %arg0 : i32, i32
  }
  func.func @transform_9(%arg0: i32) -> (i32, i32) {
    %c0_i32 = arith.constant 0 : i32
    %c0_i32_0 = arith.constant 0 : i32
    %c0_i32_1 = arith.constant 0 : i32
    return %c0_i32, %c0_i32_0 : i32, i32
  }
}

</mosaic_0001>

<sc_bundles>
// kernel: gather_offload_async_start.1
scs
__scs_entry_jumppad:
0x0: {  	(pc) =	sbr.rel $0x88, $3  }
0x1: {  	(tag) =	ssettag $0x0;
	lr =	simm.s32 $0x1  }
0x2: {  	[smem:$0x3F9C] =	sst lr;
	_ =	strace $0xD0000000  }
0x3: {  	_ = 	snop  }
0x4: {  	_ = 	snop  }
0x5: {  	_ = 	snop  }
0x6: {  	_ = 	snop  }
0x7: {  	_ = 	snop  }
__scs_overlays_trampoline_lowered:
0x8: {  	[smem:$0x3FAB] =	sst s0  }
0x9: {  	[smem:$0x3FAC] =	sst s1  }
0xa: {  	[smem:$0x3FAD] =	sst s2  }
0xb: {  	[smem:$0x3FAE] =	sst s3  }
0xc: {  	[smem:$0x3FAF] =	sst s4  }
0xd: {  	[smem:$0x3FB0] =	sst s5  }
0xe: {  	[smem:$0x3FB1] =	sst s6  }
0xf: {  	[smem:$0x3FB2] =	sst s7  }
0x10: {  	[smem:$0x3FB3] =	sst s8  }
0x11: {  	[smem:$0x3FB4] =	sst s9;
	s0 =	simm.s32 @!p0 $0x0  }
0x12: {  	s1 =	sld [smem:$0x3F9A];
	s0 =	simm.s32 @p0 $0x1  }
0x13: {  	[smem:$0x3FB5] =	sst s0;
	s0 =	simm.s32 @!p1 $0x0  }
0x14: {  	s2 =	sld [smem:$0x3F99];
	s0 =	simm.s32 @p1 $0x1  }
0x15: {  	[smem:$0x3FB6] =	sst s0;
	s0 =	simm.s32 @!p2 $0x0  }
0x16: {  	s3 =	sld [smem:$0x3FDB];
	s0 =	simm.s32 @p2 $0x1  }
0x17: {  	s4 =	simm.s32 $0x1BF5;
	[smem:$0x3FB8] =	sst s0  }
0x18: {  	s0 =	sld [smem:$0x3F9B];
	_ =	swait.ge [sflag:s4], $0x0  }
0x19: {  	s7 =	sld [smem:$0x3F9C]  }
0x1a: {  	s8 =	sadd.s32 $0xFFFFE003, lr  }
0x1b: {  	s9 =	sadd.s32 $0xFFFFFEF7, lr;
	s5 =	simm.s32 $0xFFFFFFFF;
	p2 =	slt.u32 s8, $0xFFFFF086  }
0x1c: {  	p1 =	slt.u32 s9, $0xF7A;
	s5 =	simm.s32 @!p2 $0x0  }
0x1d: {  	s5 =	simm.s32 @p1 $0x1;
	p0 =	seq.s32 s7, s2  }
0x1e: {  	s7 =	smul.u32 @!p0 $0xF7A, s2;
	p2 =	seq.s32 @!p0 s5, $0x0  }
0x1f: {  	s9 =	smul.u32 $0xF7A, s1;
	s8 =	simm.s32 @!p0 $0x1BF5;
	p2 =	por !p2, p0  }
0x20: {  	[sflag:s8] =	ssyncset.s32 @!p0 $0xFFFFF086;
	s6 =	sadd.s32 @!p0 s3, s7;
	s7 =	simm.s32 @!p0 $0x108  }
0x21: {  	s3 =	sadd.s32 s3, s9;
	s6 =	sadd.s32 @!p0 $0x88, s6;
	s7 =	simm.s32 @p2 $0x1082  }
0x22: {  	[simem:s7], [sflag:s8] =	dma.local @!p0 [hbm:s6], $0xF7A  }
0x23: {  	s9 =	sor.u32 $0xD0000000, s2;
	s6 =	simm.s32 $0x108;
	_ =	swait.ge @!p0 [sflag:s8], $0x0  }
0x24: {  	s3 =	sadd.s32 $0x88, s3;
	s6 =	simm.s32 @!p1 $0x1082;
	[sflag:s4] =	ssyncset.s32 $0xFFFFF086  }
0x25: {  	[simem:s6], [sflag:s4] =	dma.local [hbm:s3], $0xF7A  }
0x26: {  	[smem:$0x3F9C] =	sst s1;
	(tag) =	ssettag s2;
	_ =	strace s9  }
0x27: {  	s1 =	sld [smem:$0x3FAC]  }
0x28: {  	s2 =	sld [smem:$0x3FAD]  }
0x29: {  	s4 =	sld [smem:$0x3FAF]  }
0x2a: {  	p0 =	seq.s32 s5, $0x0;
	s5 =	sld [smem:$0x3FB0]  }
0x2b: {  	s6 =	sld [smem:$0x3FB1]  }
0x2c: {  	s7 =	sld [smem:$0x3FB2]  }
0x2d: {  	s3 =	simm.s32 $0x108;
	s8 =	sld [smem:$0x3FB3]  }
0x2e: {  	s3 =	simm.s32 @!p0 $0x1082;
	s9 =	sld [smem:$0x3FB4]  }
0x2f: {  	lr =	sadd.s32 s0, s3;
	s0 =	sld [smem:$0x3FAB]  }
0x30: {  	s3 =	sld [smem:$0x3FAE]  }
0x31: {  	[smem:$0x3FB7] =	sst s10  }
0x32: {  	s10 =	sld [smem:$0x3FB5];
	_ =	sdelay $0x3  }
0x33: {  	p0 =	seq.s32 s10, $0x1;
	s10 =	sld [smem:$0x3FB7];
	_ =	sdelay $0x3  }
0x34: {  	[smem:$0x3FB7] =	sst s10  }
0x35: {  	s10 =	sld [smem:$0x3FB6];
	_ =	sdelay $0x3  }
0x36: {  	p1 =	seq.s32 s10, $0x1;
	s10 =	sld [smem:$0x3FB7];
	_ =	sdelay $0x3  }
0x37: {  	[smem:$0x3FB7] =	sst s10  }
0x38: {  	s10 =	sld [smem:$0x3FB8]  }
0x39: {  	_ = 	snop;
	(pc) =	sbr.ind lr, $3  }
0x3a: {  	_ = 	snop  }
0x3b: {  	_ = 	snop  }
0x3c: {  	p2 =	seq.s32 s10, $0x1;
	s10 =	sld [smem:$0x3FB7]  }
0x3d: {  	_ =	shalt  }
0x3e: {  	_ =	shalt  }
0x3f: {  	_ =	shalt  }
0x40: {  	_ =	shalt  }
0x41: {  	_ =	shalt  }
0x42: {  	_ =	shalt  }
0x43: {  	_ =	shalt  }
0x44: {  	_ =	shalt  }
0x45: {  	_ =	shalt  }
0x46: {  	_ =	shalt  }
0x47: {  	_ =	shalt  }
0x48: {  	_ =	shalt  }
0x49: {  	_ =	shalt  }
0x4a: {  	_ =	shalt  }
0x4b: {  	_ =	shalt  }
0x4c: {  	_ =	shalt  }
0x4d: {  	_ =	shalt  }
0x4e: {  	_ =	shalt  }
0x4f: {  	_ =	shalt  }
0x50: {  	_ =	shalt  }
0x51: {  	_ =	shalt  }
0x52: {  	_ =	shalt  }
0x53: {  	_ =	shalt  }
0x54: {  	_ =	shalt  }
0x55: {  	_ =	shalt  }
0x56: {  	_ =	shalt  }
0x57: {  	_ =	shalt  }
0x58: {  	_ =	shalt  }
0x59: {  	_ =	shalt  }
0x5a: {  	_ =	shalt  }
0x5b: {  	_ =	shalt  }
0x5c: {  	_ =	shalt  }
0x5d: {  	_ =	shalt  }
0x5e: {  	_ =	shalt  }
0x5f: {  	_ =	shalt  }
0x60: {  	_ =	shalt  }
0x61: {  	_ =	shalt  }
0x62: {  	_ =	shalt  }
0x63: {  	_ =	shalt  }
0x64: {  	_ =	shalt  }
0x65: {  	_ =	shalt  }
0x66: {  	_ =	shalt  }
0x67: {  	_ =	shalt  }
0x68: {  	_ =	shalt  }
0x69: {  	_ =	shalt  }
0x6a: {  	_ =	shalt  }
0x6b: {  	_ =	shalt  }
0x6c: {  	_ =	shalt  }
0x6d: {  	_ =	shalt  }
0x6e: {  	_ =	shalt  }
0x6f: {  	_ =	shalt  }
0x70: {  	_ =	shalt  }
0x71: {  	_ =	shalt  }
0x72: {  	_ =	shalt  }
0x73: {  	_ =	shalt  }
0x74: {  	_ =	shalt  }
0x75: {  	_ =	shalt  }
0x76: {  	_ =	shalt  }
0x77: {  	_ =	shalt  }
0x78: {  	_ =	shalt  }
0x79: {  	_ =	shalt  }
0x7a: {  	_ =	shalt  }
0x7b: {  	_ =	shalt  }
0x7c: {  	_ =	shalt  }
0x7d: {  	_ =	shalt  }
0x7e: {  	_ =	shalt  }
0x7f: {  	_ =	shalt  }
0x80: {  	_ =	shalt  }
0x81: {  	_ =	shalt  }
0x82: {  	_ =	shalt  }
0x83: {  	_ =	shalt  }
0x84: {  	_ =	shalt  }
0x85: {  	_ =	shalt  }
0x86: {  	_ =	shalt  }
0x87: {  	_ =	shalt  }
.Lfunc_end0:
.L_simem_size_0:
called_computation.1_lowered:
.L_overlay_start_0:
0x88: {  	s2 =	sld [smem:$0x3FD9]  }
0x89: {  	s3 =	sld [smem:$0x3FFE];
	_ =	sdelay $0x1  }
0x8a: {  	s1 =	srdreg.scid  }
0x8b: {  	s0 =	sand.u32 $0x1, s1  }
0x8c: {  	s15 =	sshll.u32 s0, $0xA;
	s2 =	sadd.s32 s3, s2  }
0x8d: {  	s2 =	sadd.s32 s2, s15  }
0x8e: {  	[smem:$0x3FC3] =	sst s2  }
0x8f: {  	_ = 	snop  }
0x90: {  	s2 =	sld [smem:$0x3FD0];
	_ =	sdelay $0x2  }
0x91: {  	s4 =	simm.s32 $0xB;
	s5 =	simm.s32 $0x10;
	s16 =	sld [smem:$0x3FC8]  }
0x92: {  	[smem:s5], [sflag:s4] =	dma.local [hbm:s2], $0x1  }
0x93: {  	_ =	swait.eq [sflag:s4], $0x1  }
0x94: {  	[sflag:s4] =	ssyncset.done $0x0  }
0x95: {  	s17 =	sld [smem:$0x12];
	[sflag:s4] =	ssyncadd.s32 $0xFFFFFFFF  }
0x96: {  	s18 =	sld [smem:$0x13];
	(tm) =	ssettm $0x1  }
0x97: {  	s19 =	sld [smem:$0x3FFB];
	_ =	sdelay $0x3  }
0x98: {  	_ =	strace s19  }
0x99: {  	s5 =	sld [smem:$0x3FFC];
	_ =	sdelay $0x3  }
0x9a: {  	_ =	strace s5  }
0x9b: {  	s5 =	sld [smem:$0x3FFD];
	_ =	sdelay $0x3  }
0x9c: {  	_ =	strace s5  }
0x9d: {  	_ =	strace $0x8FFFFFFF  }
0x9e: {  	s20 =	sld [smem:$0x3FDB];
	_ =	sdelay $0x1  }
0x9f: {  	s6 =	simm.s32 $_scs_section_size  }
0xa0: {  	s7 =	simm.s32 $_size__tile_overlayer_lowered;
	s8 =	simm.s32 $_tile_overlayer_lowered  }
0xa1: {  	s23 =	simm.s32 $0x1BFF;
	s22 =	sshll.u32 s8, $0x1;
	s5 =	sadd.s32 s6, s20  }
0xa2: {  	s9 =	simm.s32 $0x0;
	s21 =	sshll.u32 s7, $0x1;
	s7 =	sadd.s32 s22, s5  }
0xa3: {  	[timem:s9], [sflag:s23] =	dma.local [hbm:s7], s21  }
0xa4: {  	_ =	swait.ge [sflag:s23], s21  }
0xa5: {  	s6 =	ssub.s32 $0x0, s21;
	[sflag:s23] =	ssyncset.done $0x0  }
0xa6: {  	[sflag:s23] =	ssyncadd.s32 s6;
	_ =	sdelay $0x1  }
0xa7: {  	s24 =	simm.s32 $0x1B8B  }
0xa8: {  	_ =	swait.ge [sflag:s24], $0x1  }
0xa9: {  	[sflag:s24] =	ssyncset.done $0x0  }
0xaa: {  	s25 =	simm.s32 $0x1B8E;
	[sflag:s24] =	ssyncadd.s32 $0xFFFFFFFF  }
0xab: {  	s26 =	simm.s32 $execute0_lowered;
	[smem:$0x3FD2] =	sst s25  }
0xac: {  	s6 =	sshll.u32 s26, $0x1;
	_ =	strace $0x80000046;
	[dreg:$0x1] =	wrdreg $0xFFFFFFFF  }
0xad: {  	s28 =	simm.s32 $_size_execute0_lowered;
	s5 =	sadd.s32 s5, s6;
	[dreg:$0x0] =	wrdreg $0x0  }
0xae: {  	s6 =	sshll.u32 s28, $0x1;
	[dreg:$0x2] =	wrdreg s5  }
0xaf: {  	[dreg:$0x3] =	wrdreg s6  }
0xb0: {  	[dreg:$0x4] =	wrdreg $0xC0  }
0xb1: {  	_ =	task [dreg:s9], $0x5FFFF  }
0xb2: {  	[dreg:$0x1] =	wrdreg $0xFFFFFFFF  }
0xb3: {  	[dreg:$0x0] =	wrdreg $0x60  }
0xb4: {  	[dreg:$0x2] =	wrdreg s16  }
0xb5: {  	[dreg:$0x3] =	wrdreg s18  }
0xb6: {  	[dreg:$0x4] =	wrdreg s17  }
0xb7: {  	[dreg:$0x5] =	wrdreg $0xA  }
0xb8: {  	_ =	task.clear_ibuf [dreg:s9], $0x6FFFF;
	_ =	strace $0x90000046  }
0xb9: {  	s29 =	simm.s32 $0xA;
	_ =	strace $0x80000048  }
0xba: {  	_ =	swait.ge [sflag:s29], $0x1  }
0xbb: {  	[sflag:s29] =	ssyncadd.s32 $0xFFFFFFFF  }
0xbc: {  	_ =	strace $0x90000048  }
0xbd: {  	_ =	sfence  }
0xbe: {  	s30 =	sld [smem:$0x0];
	_ =	sdelay $0x2  }
0xbf: {  	s31 =	sshll.u32 s1, $0xD;
	s1 =	sshrl.u32 s1, $0x2  }
0xc0: {  	s3 =	sand.u32 $0x4000, s31;
	s1 =	sadd.s32 s1, s30  }
0xc1: {  	s0 =	sor.u32 s3, s0;
	s1 =	sshll.u32 s1, $0x11  }
0xc2: {  	s0 =	sor.u32 s1, s0  }
0xc3: {  	s0 =	sadd.s32 $0x8F2B, s0  }
0xc4: {  	[sflag:s0] =	ssyncadd.remote.s32 $0x1  }
0xc5: {  	_ =	sfence.sel $0xFFFF  }
0xc6: {  	[dreg:$0x0] =	wrdreg $0xFFFFFFFF;
	(pc) =	sbr.abs _section_cstart, $3  }
0xc7: {  	[dreg:$0x1] =	wrdreg $0xFFFFFFFF  }
0xc8: {  	_ =	task.clear_ibuf [dreg:s9], $0x2FFFF;
	_ =	strace $0x9FFFFFFF  }
0xc9: {  	(tm) =	ssettm $0x7FFFFFFF  }
tec
execute0_lowered:
.L_overlay_start_1:
0x0: {  	(tag) =	ssettag $0x1  }
0x1: {  	s1 =	srdreg.scid;
	s2 =	rddreg [dreg:$0x0]  }
0x2: {  	s0 =	stileid.u32;
	s3 =	rddreg [dreg:$0x1]  }
0x3: {  	s4 =	rddreg [dreg:$0x2];
	s6 =	simm.s32 $0x1;
	s1 =	sshll.u32 s1, $0x6  }
0x4: {  	s9 =	simm.s32 $0x1;
	s5 =	sshll.u32 s0, $0x7;
	s1 =	sand.u32 $0x40, s1  }
0x5: {  	s10 =	simm.s32 $0x3;
	s13 =	simm.s32 $0x0;
	s5 =	sor.u32 s5, s1  }
0x6: {  	s12 =	simm.s32 $0x0;
	s1 =	rddreg [dreg:$0x3];
	s8 =	ssub.s32 $0x1000, s5  }
.Ltmp0:
0x7: {  	_ =	strace $0x80000047;
	s7 =	sand.u32 $0x7C0, s8;
	(pc) =	sbr.rel .LBB2_1-.Ltmp0, $4  }
0x8: {  	[sflag:s6] =	ssyncpa.u1 $0x0;
	s11 =	smov.u32 s5;
	p0 =	sne.s32 s7, $0x0  }
0x9: {  	s8 =	sshrl.u32 s8, $0xB;
	s7 =	simm.s32 $0x2;
	s9 =	simm.s32 @!p0 $0x0  }
0xa: {  	[sflag:s7] =	ssyncpa.u1 $0x0;
	p0 =	por $0x0, $0x0;
	s8 =	sadd.s32 s9, s8  }
0xb: {  	vm0 =	vmmov $0xffff;
	[sflag:s10] =	ssyncpa.u1 $0x0;
	s10 =	simm.s32 $0x0;
	s9 =	sadd.s32 $0x1, s8  }
.LBB2_4:
0xc: {  	v2 =	vnsel vm1, $0x0, v2  }
0xd: {  	vm1 =	vgt.s32 v0, $0x0;
	v2 =	vmin.u32 v2, $0xFFF  }
0xe: {  	v0 =	vnsel vm1, $0x0, v0  }
0xf: {  	v0 =	vmin.u32 v0, $0xFFF  }
0x10: {  	[tilespmem:s15], [sflag:$0x1] =	stream.indirect_vreg.gather [hbm4b:s2+s10], $0x1, v1, vm0, $0x4038;
	[tilespmem:$0x100] =	vst v63  }
0x11: {  	(ifvalue) =	ssetifvalue $0x7FFFFFFF  }
0x12: {  	[tilespmem:s16], [sflag:$0x1] =	stream.indirect_vreg.gather [hbm4b:s2+s10], $0x1, v2, vm0, $0x4038;
	[tilespmem:$0x100] =	vst v63  }
0x13: {  	s29 =	sadd.s32 $0x10, s16;
	(ifvalue) =	ssetifvalue $0x7FFFFFFF  }
0x14: {  	[tilespmem:s29], [sflag:$0x1] =	stream.indirect_vreg.gather [hbm4b:s2+s10], $0x1, v0, vm0, $0x4038;
	[tilespmem:$0x100] =	vst v63  }
0x15: {  	_ =	swait.ge [sflag:s6], $0x40  }
0x16: {  	s30 =	sshrl.u32 s13, $0x3;
	[sflag:s6] =	ssyncset.done $0x0  }
0x17: {  	s31 =	sand.u32 $0x7, s13;
	s15 =	sadd.s32 s4, s30;
	[sflag:s6] =	ssyncadd.s32 $0xFFFFFFC0  }
0x18: {  	[hbm4b:s15+s31] =	stream.linear.scatter [tilespmem:s14], [sflag:$0x3], $0x40, $0x38;
	[tilespmem:$0x100] =	vst v63  }
.LBB2_5:
0x19: {  	s15 =	sadd.s32 $0x800, s11  }
0x1a: {  	p2 =	sgt.s32 s15, $0xFFF  }
0x1b: {  	s15 =	smov.u32 @p2 s5;
	p2 =	sne.s32 s12, s9  }
.Ltmp1:
0x1c: {  	p1 =	slt.u32 s12, $0x2;
	(pc) =	sbr.rel @!p2 .LBB2_6-.Ltmp1, $4  }
0x1d: {  	s14 =	simm.s32 @!p1 $0x3  }
0x1e: {  	s16 =	sadd.s32 $0x1, s12;
	_ =	swait.ge @!p1 [sflag:s14], $0x40  }
0x1f: {  	s13 =	smov.u32 s11;
	p0 =	por !p0, !p0;
	[sflag:s14] =	ssyncset.done @!p1 $0x0  }
0x20: {  	s12 =	smov.u32 s16;
	s11 =	smov.u32 s15;
	[sflag:s14] =	ssyncadd.s32 @!p1 $0xFFFFFFC0  }
.LBB2_1:
0x21: {  	p1 =	sge.u32 s12, s8  }
0x22: {  	s14 =	sxor.u32 @!p1 $0xFFFFFFFF, s12  }
0x23: {  	s31 =	sadd.s32 $0xFFFFFFFF, s12;
	s15 =	sshrl.u32 @!p1 s11, $0x3;
	s14 =	sshll.u32 @!p1 s14, $0x6  }
0x24: {  	s16 =	sand.u32 @!p1 $0x7, s11;
	s15 =	sadd.s32 @!p1 s3, s15;
	s14 =	sand.u32 @!p1 $0x40, s14  }
0x25: {  	[tilespmem:s14], [sflag:$0x2] =	stream.linear.gather @!p1 [hbm4b:s15+s16], $0x40, $0x38;
	[tilespmem:$0x100] =	vst v63  }
0x26: {  	p1 =	sge.u32 s31, s8  }
.Ltmp2:
0x27: {  	_ = 	snop;
	(pc) =	sbr.rel @p1 .LBB2_5-.Ltmp2, $1  }
0x28: {  	_ =	sdelay $0x3  }
0x29: {  	s14 =	simm.s32 $0x1  }
0x2a: {  	_ =	swait.ge [sflag:s7], $0x40;
	s14 =	simm.s32 @!p0 $0x0  }
0x2b: {  	[sflag:s7] =	ssyncset.done $0x0;
	s14 =	sshll.u32 s14, $0x6  }
0x2c: {  	[sflag:s7] =	ssyncadd.s32 $0xFFFFFFC0;
	(ifvalue) =	ssetifvalue $0x7FFFFFFF;
	v0 =	vld.msk [tilespmem:s14+$0x0 ss:$0x1], $0xffff;
	_ =	sdelay $0x4  }
0x2d: {  	s15 =	sadd.s32 $0x10, s14;
	vm1 =	vgt.s32 v0, $0x0  }
0x2e: {  	v2 =	vld.msk [tilespmem:s15+$0x0 ss:$0x1], $0xffff;
	v1 =	vnsel vm1, $0x0, v0  }
0x2f: {  	v1 =	vmin.u32 v1, $0xFFF;
	_ =	sdelay $0x1  }
0x30: {  	s16 =	sshll.u32 s12, $0x6;
	s18 =	simm.s32 $0x20  }
0x31: {  	s16 =	sand.u32 $0x40, s16;
	s17 =	sadd.s32 $0x10, s15;
	s15 =	sor.u32 $0x80, s14  }
0x32: {  	s14 =	sor.u32 $0x80, s16;
	s16 =	sadd.s32 $0x10, s15;
	v0 =	vld.msk [tilespmem:s17+$0x0 ss:$0x1], $0xffff;
	vm1 =	vgt.s32 v2, $0x0;
	(ifvalue) =	ssetifvalue $0x7FFFFFFF  }
.LBB2_3:
0x33: {  	[tilespmem:s15], [sflag:$0x1] =	stream.indirect_vreg.gather [hbm4b:s2+s10], $0x1, v1, vm0, $0x4038;
	[tilespmem:$0x100] =	vst v63  }
0x34: {  	s18 =	sadd.s32 $0x10, s18  }
0x35: {  	v2 =	vnsel vm1, $0x0, v2;
	p1 =	slt.u32 s18, $0x30  }
.Ltmp3:
0x36: {  	s15 =	smov.u32 s16;
	v1 =	vmin.u32 v2, $0xFFF;
	(pc) =	sbr.rel @p1 .LBB2_3-.Ltmp3, $3  }
0x37: {  	_ =	sdelay $0x1  }
0x38: {  	s17 =	sadd.s32 $0x10, s17  }
0x39: {  	vm1 =	vgt.s32 v0, $0x0;
	s16 =	sadd.s32 $0x10, s16;
	v2 =	vmov v0;
	(ifvalue) =	ssetifvalue $0x7FFFFFFF;
	v0 =	vld.msk [tilespmem:s17+$0x0 ss:$0x1], $0xffff  }
.Ltmp4:
0x3a: {  	_ = 	snop;
	(pc) =	sbr.rel .LBB2_4-.Ltmp4, $1  }
0x3b: {  	_ =	sdelay $0x3  }
.LBB2_6:
0x3c: {  	_ =	sfence.sel $0x180000  }
0x3d: {  	s2 =	simm.s32 $0x2;
	[bflag:$0x0] =	sbarrier.arrive $0xFFFF  }
0x3e: {  	s30 =	simm.s32 $0x3;
	[sflag:s2] =	ssyncpa.u1 $0x1  }
0x3f: {  	s31 =	simm.s32 $0x1;
	[sflag:s30] =	ssyncpa.u1 $0x1  }
0x40: {  	[sflag:s31] =	ssyncpa.u1 $0x1  }
0x41: {  	p0 =	sne.s32 s0, $0x0;
	_ =	strace $0x90000047  }
0x42: {  	s0 =	sadd.s32 @!p0 $0x100000, s1;
	[bflag:$0x2] =	sbarrier.arrive $0xFFFF  }
0x43: {  	[sflag:s0] =	ssyncadd.tile.s32 @!p0 $0x1;
	_ =	shalt  }
.Lfunc_end2:
_tile_overlayer_lowered:
.L_overlay_start_2:
0x44: {  	(tag) =	ssettag $0x2  }
0x45: {  	s0 =	rddreg [dreg:$0x0];
	s2 =	stileid.u32  }
0x46: {  	s1 =	rddreg [dreg:$0x1];
	p0 =	sne.s32 s2, $0x0  }
0x47: {  	s3 =	rddreg [dreg:$0x2];
	[bflag:$0x3] =	sbarrier.arrive $0xFFFF;
	s2 =	simm.s32 @!p0 $0x1C01  }
0x48: {  	[timem:s3], [sflag:s2] =	dma.local @!p0 [hbm:s0], s1  }
0x49: {  	s0 =	simm.s32 @!p0 $0x1  }
0x4a: {  	_ =	swait.ge @!p0 [sflag:s0], s1  }
0x4b: {  	s1 =	ssub.s32 @!p0 $0x0, s1;
	[sflag:s0] =	ssyncset.done @!p0 $0x0  }
0x4c: {  	[sflag:s0] =	ssyncadd.s32 @!p0 s1  }
0x4d: {  	[bflag:$0x3] =	sbarrier.arrive $0xFFFF  }
0x4e: {  	_ =	shalt  }

// kernel: gather_offload_async_start
scs
__scs_entry_jumppad:
0x0: {  	(pc) =	sbr.rel $0x88, $3  }
0x1: {  	(tag) =	ssettag $0x0;
	lr =	simm.s32 $0x1  }
0x2: {  	[smem:$0x3F9C] =	sst lr;
	_ =	strace $0xD0000000  }
0x3: {  	_ = 	snop  }
0x4: {  	_ = 	snop  }
0x5: {  	_ = 	snop  }
0x6: {  	_ = 	snop  }
0x7: {  	_ = 	snop  }
__scs_overlays_trampoline_lowered:
0x8: {  	[smem:$0x3FAB] =	sst s0  }
0x9: {  	[smem:$0x3FAC] =	sst s1  }
0xa: {  	[smem:$0x3FAD] =	sst s2  }
0xb: {  	[smem:$0x3FAE] =	sst s3  }
0xc: {  	[smem:$0x3FAF] =	sst s4  }
0xd: {  	[smem:$0x3FB0] =	sst s5  }
0xe: {  	[smem:$0x3FB1] =	sst s6  }
0xf: {  	[smem:$0x3FB2] =	sst s7  }
0x10: {  	[smem:$0x3FB3] =	sst s8  }
0x11: {  	[smem:$0x3FB4] =	sst s9;
	s0 =	simm.s32 @!p0 $0x0  }
0x12: {  	s1 =	sld [smem:$0x3F9A];
	s0 =	simm.s32 @p0 $0x1  }
0x13: {  	[smem:$0x3FB5] =	sst s0;
	s0 =	simm.s32 @!p1 $0x0  }
0x14: {  	s2 =	sld [smem:$0x3F99];
	s0 =	simm.s32 @p1 $0x1  }
0x15: {  	[smem:$0x3FB6] =	sst s0;
	s0 =	simm.s32 @!p2 $0x0  }
0x16: {  	s3 =	sld [smem:$0x3FDB];
	s0 =	simm.s32 @p2 $0x1  }
0x17: {  	s4 =	simm.s32 $0x1BF5;
	[smem:$0x3FB8] =	sst s0  }
0x18: {  	s0 =	sld [smem:$0x3F9B];
	_ =	swait.ge [sflag:s4], $0x0  }
0x19: {  	s7 =	sld [smem:$0x3F9C]  }
0x1a: {  	s8 =	sadd.s32 $0xFFFFE003, lr  }
0x1b: {  	s9 =	sadd.s32 $0xFFFFFEF7, lr;
	s5 =	simm.s32 $0xFFFFFFFF;
	p2 =	slt.u32 s8, $0xFFFFF086  }
0x1c: {  	p1 =	slt.u32 s9, $0xF7A;
	s5 =	simm.s32 @!p2 $0x0  }
0x1d: {  	s5 =	simm.s32 @p1 $0x1;
	p0 =	seq.s32 s7, s2  }
0x1e: {  	s7 =	smul.u32 @!p0 $0xF7A, s2;
	p2 =	seq.s32 @!p0 s5, $0x0  }
0x1f: {  	s9 =	smul.u32 $0xF7A, s1;
	s8 =	simm.s32 @!p0 $0x1BF5;
	p2 =	por !p2, p0  }
0x20: {  	[sflag:s8] =	ssyncset.s32 @!p0 $0xFFFFF086;
	s6 =	sadd.s32 @!p0 s3, s7;
	s7 =	simm.s32 @!p0 $0x108  }
0x21: {  	s3 =	sadd.s32 s3, s9;
	s6 =	sadd.s32 @!p0 $0x88, s6;
	s7 =	simm.s32 @p2 $0x1082  }
0x22: {  	[simem:s7], [sflag:s8] =	dma.local @!p0 [hbm:s6], $0xF7A  }
0x23: {  	s9 =	sor.u32 $0xD0000000, s2;
	s6 =	simm.s32 $0x108;
	_ =	swait.ge @!p0 [sflag:s8], $0x0  }
0x24: {  	s3 =	sadd.s32 $0x88, s3;
	s6 =	simm.s32 @!p1 $0x1082;
	[sflag:s4] =	ssyncset.s32 $0xFFFFF086  }
0x25: {  	[simem:s6], [sflag:s4] =	dma.local [hbm:s3], $0xF7A  }
0x26: {  	[smem:$0x3F9C] =	sst s1;
	(tag) =	ssettag s2;
	_ =	strace s9  }
0x27: {  	s1 =	sld [smem:$0x3FAC]  }
0x28: {  	s2 =	sld [smem:$0x3FAD]  }
0x29: {  	s4 =	sld [smem:$0x3FAF]  }
0x2a: {  	p0 =	seq.s32 s5, $0x0;
	s5 =	sld [smem:$0x3FB0]  }
0x2b: {  	s6 =	sld [smem:$0x3FB1]  }
0x2c: {  	s7 =	sld [smem:$0x3FB2]  }
0x2d: {  	s3 =	simm.s32 $0x108;
	s8 =	sld [smem:$0x3FB3]  }
0x2e: {  	s3 =	simm.s32 @!p0 $0x1082;
	s9 =	sld [smem:$0x3FB4]  }
0x2f: {  	lr =	sadd.s32 s0, s3;
	s0 =	sld [smem:$0x3FAB]  }
0x30: {  	s3 =	sld [smem:$0x3FAE]  }
0x31: {  	[smem:$0x3FB7] =	sst s10  }
0x32: {  	s10 =	sld [smem:$0x3FB5];
	_ =	sdelay $0x3  }
0x33: {  	p0 =	seq.s32 s10, $0x1;
	s10 =	sld [smem:$0x3FB7];
	_ =	sdelay $0x3  }
0x34: {  	[smem:$0x3FB7] =	sst s10  }
0x35: {  	s10 =	sld [smem:$0x3FB6];
	_ =	sdelay $0x3  }
0x36: {  	p1 =	seq.s32 s10, $0x1;
	s10 =	sld [smem:$0x3FB7];
	_ =	sdelay $0x3  }
0x37: {  	[smem:$0x3FB7] =	sst s10  }
0x38: {  	s10 =	sld [smem:$0x3FB8]  }
0x39: {  	_ = 	snop;
	(pc) =	sbr.ind lr, $3  }
0x3a: {  	_ = 	snop  }
0x3b: {  	_ = 	snop  }
0x3c: {  	p2 =	seq.s32 s10, $0x1;
	s10 =	sld [smem:$0x3FB7]  }
0x3d: {  	_ =	shalt  }
0x3e: {  	_ =	shalt  }
0x3f: {  	_ =	shalt  }
0x40: {  	_ =	shalt  }
0x41: {  	_ =	shalt  }
0x42: {  	_ =	shalt  }
0x43: {  	_ =	shalt  }
0x44: {  	_ =	shalt  }
0x45: {  	_ =	shalt  }
0x46: {  	_ =	shalt  }
0x47: {  	_ =	shalt  }
0x48: {  	_ =	shalt  }
0x49: {  	_ =	shalt  }
0x4a: {  	_ =	shalt  }
0x4b: {  	_ =	shalt  }
0x4c: {  	_ =	shalt  }
0x4d: {  	_ =	shalt  }
0x4e: {  	_ =	shalt  }
0x4f: {  	_ =	shalt  }
0x50: {  	_ =	shalt  }
0x51: {  	_ =	shalt  }
0x52: {  	_ =	shalt  }
0x53: {  	_ =	shalt  }
0x54: {  	_ =	shalt  }
0x55: {  	_ =	shalt  }
0x56: {  	_ =	shalt  }
0x57: {  	_ =	shalt  }
0x58: {  	_ =	shalt  }
0x59: {  	_ =	shalt  }
0x5a: {  	_ =	shalt  }
0x5b: {  	_ =	shalt  }
0x5c: {  	_ =	shalt  }
0x5d: {  	_ =	shalt  }
0x5e: {  	_ =	shalt  }
0x5f: {  	_ =	shalt  }
0x60: {  	_ =	shalt  }
0x61: {  	_ =	shalt  }
0x62: {  	_ =	shalt  }
0x63: {  	_ =	shalt  }
0x64: {  	_ =	shalt  }
0x65: {  	_ =	shalt  }
0x66: {  	_ =	shalt  }
0x67: {  	_ =	shalt  }
0x68: {  	_ =	shalt  }
0x69: {  	_ =	shalt  }
0x6a: {  	_ =	shalt  }
0x6b: {  	_ =	shalt  }
0x6c: {  	_ =	shalt  }
0x6d: {  	_ =	shalt  }
0x6e: {  	_ =	shalt  }
0x6f: {  	_ =	shalt  }
0x70: {  	_ =	shalt  }
0x71: {  	_ =	shalt  }
0x72: {  	_ =	shalt  }
0x73: {  	_ =	shalt  }
0x74: {  	_ =	shalt  }
0x75: {  	_ =	shalt  }
0x76: {  	_ =	shalt  }
0x77: {  	_ =	shalt  }
0x78: {  	_ =	shalt  }
0x79: {  	_ =	shalt  }
0x7a: {  	_ =	shalt  }
0x7b: {  	_ =	shalt  }
0x7c: {  	_ =	shalt  }
0x7d: {  	_ =	shalt  }
0x7e: {  	_ =	shalt  }
0x7f: {  	_ =	shalt  }
0x80: {  	_ =	shalt  }
0x81: {  	_ =	shalt  }
0x82: {  	_ =	shalt  }
0x83: {  	_ =	shalt  }
0x84: {  	_ =	shalt  }
0x85: {  	_ =	shalt  }
0x86: {  	_ =	shalt  }
0x87: {  	_ =	shalt  }
.Lfunc_end0:
.L_simem_size_0:
called_computation_lowered:
.L_overlay_start_0:
0x88: {  	s2 =	sld [smem:$0x3FD9]  }
0x89: {  	s3 =	sld [smem:$0x3FFE];
	_ =	sdelay $0x1  }
0x8a: {  	s1 =	srdreg.scid  }
0x8b: {  	s0 =	sand.u32 $0x1, s1  }
0x8c: {  	s15 =	sshll.u32 s0, $0xA;
	s2 =	sadd.s32 s3, s2  }
0x8d: {  	s2 =	sadd.s32 s2, s15  }
0x8e: {  	[smem:$0x3FC3] =	sst s2  }
0x8f: {  	_ = 	snop  }
0x90: {  	s2 =	sld [smem:$0x3FD0];
	_ =	sdelay $0x2  }
0x91: {  	s16 =	simm.s32 $0xB;
	s4 =	simm.s32 $0x10  }
0x92: {  	[smem:s4], [sflag:s16] =	dma.local [hbm:s2], $0x1  }
0x93: {  	_ =	swait.eq [sflag:s16], $0x1  }
0x94: {  	[sflag:s16] =	ssyncset.done $0x0  }
0x95: {  	[sflag:s16] =	ssyncadd.s32 $0xFFFFFFFF  }
0x96: {  	s17 =	sld [smem:$0x13];
	(tm) =	ssettm $0x1  }
0x97: {  	s18 =	sld [smem:$0x3FFB];
	_ =	sdelay $0x3  }
0x98: {  	_ =	strace s18  }
0x99: {  	s2 =	sld [smem:$0x3FFC];
	_ =	sdelay $0x3  }
0x9a: {  	_ =	strace s2  }
0x9b: {  	s2 =	sld [smem:$0x3FFD];
	_ =	sdelay $0x3  }
0x9c: {  	_ =	strace s2  }
0x9d: {  	_ =	strace $0x8FFFFFFF  }
0x9e: {  	s19 =	sld [smem:$0x3FDB];
	_ =	sdelay $0x1  }
0x9f: {  	s20 =	simm.s32 $_scs_section_size  }
0xa0: {  	s5 =	simm.s32 $_size__tile_overlayer_lowered;
	s6 =	simm.s32 $_tile_overlayer_lowered  }
0xa1: {  	s7 =	simm.s32 $0x1BFF;
	s21 =	sshll.u32 s6, $0x1;
	s4 =	sadd.s32 s20, s19  }
0xa2: {  	s22 =	simm.s32 $0x0;
	s5 =	sshll.u32 s5, $0x1;
	s6 =	sadd.s32 s21, s4  }
0xa3: {  	[timem:s22], [sflag:s7] =	dma.local [hbm:s6], s5  }
0xa4: {  	_ =	swait.ge [sflag:s7], s5  }
0xa5: {  	s5 =	ssub.s32 $0x0, s5;
	[sflag:s7] =	ssyncset.done $0x0  }
0xa6: {  	[sflag:s7] =	ssyncadd.s32 s5;
	_ =	sdelay $0x1  }
0xa7: {  	s23 =	simm.s32 $0x1B8B  }
0xa8: {  	_ =	swait.ge [sflag:s23], $0x1  }
0xa9: {  	[sflag:s23] =	ssyncset.done $0x0  }
0xaa: {  	[sflag:s23] =	ssyncadd.s32 $0xFFFFFFFF  }
0xab: {  	s5 =	sld [smem:$0x0]  }
0xac: {  	s6 =	sand.u32 $0xFFFFFFFE, s1  }
0xad: {  	p0 =	sne.s32 s1, s6  }
0xae: {  	s6 =	sshll.u32 @p0 s6, $0xE  }
0xaf: {  	s6 =	sadd.s32 @p0 $0x11B8D, s6;
	s7 =	sshll.u32 @p0 s5, $0x11  }
0xb0: {  	s6 =	sor.u32 @p0 s7, s6  }
0xb1: {  	[sflag:s6] =	ssyncadd.remote.s32 @p0 $0x1;
	_ =	sdelay $0x1  }
0xb2: {  	s6 =	simm.s32 @p0 $0x1B8D  }
0xb3: {  	_ =	swait.eq @p0 [sflag:s6], $0x1  }
0xb4: {  	[sflag:s6] =	ssyncadd.s32 @p0 $0xFFFFFFFF  }
0xb5: {  	s7 =	sshll.u32 @!p0 s1, $0xE  }
0xb6: {  	s7 =	sor.u32 @!p0 $0x4000, s7;
	s6 =	simm.s32 @!p0 $0x1B8D  }
0xb7: {  	s5 =	sshll.u32 @!p0 s5, $0x11;
	s7 =	sadd.s32 @!p0 $0x11B8D, s7;
	_ =	swait.eq @!p0 [sflag:s6], $0x1  }
0xb8: {  	s5 =	sor.u32 @!p0 s5, s7;
	[sflag:s6] =	ssyncadd.s32 @!p0 $0xFFFFFFFF  }
0xb9: {  	s25 =	simm.s32 $0x1B8E;
	s24 =	sld [smem:$0x3FFE];
	[sflag:s5] =	ssyncadd.remote.s32 @!p0 $0x1  }
0xba: {  	s26 =	simm.s32 $execute0_lowered;
	[smem:$0x3FD2] =	sst s25  }
0xbb: {  	s6 =	sshll.u32 s26, $0x1;
	_ =	strace $0x80000049;
	[dreg:$0x1] =	wrdreg $0xFFFFFFFF  }
0xbc: {  	s28 =	simm.s32 $_size_execute0_lowered;
	s4 =	sadd.s32 s4, s6;
	[dreg:$0x0] =	wrdreg $0x0  }
0xbd: {  	s6 =	sshll.u32 s28, $0x1;
	[dreg:$0x2] =	wrdreg s4  }
0xbe: {  	[dreg:$0x3] =	wrdreg s6  }
0xbf: {  	[dreg:$0x4] =	wrdreg $0xC0  }
0xc0: {  	_ =	task [dreg:s22], $0x5FFFF  }
0xc1: {  	[dreg:$0x1] =	wrdreg $0xFFFFFFFF  }
0xc2: {  	[dreg:$0x0] =	wrdreg $0x60  }
0xc3: {  	[dreg:$0x2] =	wrdreg s24  }
0xc4: {  	[dreg:$0x3] =	wrdreg s17  }
0xc5: {  	[dreg:$0x4] =	wrdreg $0x9  }
0xc6: {  	_ =	task.clear_ibuf [dreg:s22], $0x5FFFF;
	_ =	strace $0x90000049  }
0xc7: {  	s29 =	simm.s32 $0x9;
	_ =	strace $0x8000004B  }
0xc8: {  	_ =	swait.ge [sflag:s29], $0x1  }
0xc9: {  	[sflag:s29] =	ssyncadd.s32 $0xFFFFFFFF  }
0xca: {  	_ =	strace $0x9000004B  }
0xcb: {  	_ =	sfence  }
0xcc: {  	s30 =	sld [smem:$0x0];
	_ =	sdelay $0x2  }
0xcd: {  	s31 =	sshll.u32 s1, $0xD;
	s1 =	sshrl.u32 s1, $0x2  }
0xce: {  	s4 =	sand.u32 $0x4000, s31;
	s1 =	sadd.s32 s1, s30  }
0xcf: {  	s0 =	sor.u32 s4, s0;
	s1 =	sshll.u32 s1, $0x11  }
0xd0: {  	s0 =	sor.u32 s1, s0  }
0xd1: {  	s0 =	sadd.s32 $0x8F2B, s0  }
0xd2: {  	[sflag:s0] =	ssyncadd.remote.s32 $0x1  }
0xd3: {  	_ =	sfence.sel $0xFFFF  }
0xd4: {  	[dreg:$0x0] =	wrdreg $0xFFFFFFFF;
	(pc) =	sbr.abs _section_cstart, $3  }
0xd5: {  	[dreg:$0x1] =	wrdreg $0xFFFFFFFF  }
0xd6: {  	_ =	task.clear_ibuf [dreg:s22], $0x2FFFF;
	_ =	strace $0x9FFFFFFF  }
0xd7: {  	(tm) =	ssettm $0x7FFFFFFF  }
tec
execute0_lowered:
.L_overlay_start_1:
0x0: {  	(tag) =	ssettag $0x1  }
0x1: {  	s7 =	rddreg [dreg:$0x0]  }
0x2: {  	s2 =	rddreg [dreg:$0x1]  }
0x3: {  	s0 =	rddreg [dreg:$0x2]  }
0x4: {  	s1 =	srdreg.scid;
	_ =	strace $0x8000004A;
	s4 =	simm.s32 $0x1  }
0x5: {  	s9 =	simm.s32 $0x3;
	s12 =	simm.s32 $0x0;
	s5 =	sshll.u32 s1, $0x4  }
.Ltmp0:
0x6: {  	s1 =	stileid.u32;
	s5 =	sand.u32 $0x10, s5;
	(pc) =	sbr.rel .LBB2_1-.Ltmp0, $4  }
0x7: {  	s10 =	simm.s32 $0x0;
	s3 =	sadd.s32 $0x1A00, s7;
	s6 =	sor.u32 s1, s5  }
0x8: {  	[sflag:s4] =	ssyncpa.u1 $0x0;
	s5 =	simm.s32 $0x2;
	s6 =	sshll.u32 s6, $0x7  }
0x9: {  	s7 =	sadd.s32 $0x11A00, s7;
	[sflag:s5] =	ssyncpa.u1 $0x0;
	s8 =	sadd.s32 $0x80, s6  }
0xa: {  	vm0 =	vmmov $0xff;
	vm1 =	vcmask $0x3F20;
	[sflag:s9] =	ssyncpa.u1 $0x0;
	s9 =	simm.s32 $0x80;
	s11 =	smov.u32 s6  }
.LBB2_9:
0xb: {  	p0 =	seq.s32 s10, $0x2  }
.Ltmp1:
0xc: {  	_ = 	snop;
	(pc) =	sbr.rel @p0 .LBB2_11-.Ltmp1, $1  }
0xd: {  	_ =	sdelay $0x3  }
.LBB2_10:
0xe: {  	s12 =	sadd.s32 $0x80, s11  }
0xf: {  	s13 =	smov.u32 s6;
	p0 =	slt.s32 s12, s8  }
0x10: {  	s13 =	smov.u32 @p0 s12  }
0x11: {  	s10 =	sadd.s32 $0x1, s10;
	s12 =	smov.u32 s11;
	s11 =	smov.u32 s13  }
.LBB2_1:
0x12: {  	p0 =	sne.s32 s10, $0x0  }
.Ltmp2:
0x13: {  	_ = 	snop;
	(pc) =	sbr.rel @!p0 .LBB2_2-.Ltmp2, $1  }
0x14: {  	_ =	sdelay $0x3  }
0x15: {  	s13 =	sand.u32 $0x1, s10  }
0x16: {  	p0 =	seq.s32 s13, $0x0  }
.Ltmp3:
0x17: {  	_ = 	snop;
	(pc) =	sbr.rel @p0 .LBB2_9-.Ltmp3, $1  }
0x18: {  	_ =	sdelay $0x3  }
0x19: {  	_ =	swait.ge [sflag:s5], $0x80  }
0x1a: {  	[sflag:s5] =	ssyncset.done $0x0  }
0x1b: {  	s13 =	simm.s32 $0x0;
	[sflag:s5] =	ssyncadd.s32 $0xFFFFFF80  }
0x1c: {  	v0 =	vld.msk [tilespmem:s13+$0x80 ss:$0x1], $0xffff;
	_ =	sdelay $0x4  }
0x1d: {  	vm2 =	vgt.s32 v0, $0x0  }
0x1e: {  	v0 =	vnsel vm2, $0x0, v0  }
0x1f: {  	v0 =	vmin.u32 v0, $0xFFF  }
0x20: {  	v0 =	vshll.u32 v0, $0x4;
	_ =	sdelay $0x3  }
0x21: {  	s13 =	simm.s32 $0x4100  }
0x22: {  	[tilespmem:s13], [sflag:$0x1] =	stream.indirect_vreg.gather [hbm:s3], $0x80, v0, vm0, $0x38;
	[tilespmem:$0x8100] =	vst v63  }
0x23: {  	s14 =	simm.s32 $0x4500;
	s31 =	simm.s32 $0x10  }
0x24: {  	[tilespmem:s14], [sflag:$0x1] =	stream.indirect_vreg.gather [hbm:s3], $0x80, v0, vm1, $0x38;
	[tilespmem:$0x8100] =	vst v63  }
0x25: {  	s14 =	simm.s32 $0x80;
	v0 =	vld.msk [tilespmem:s31+$0x80 ss:$0x1], $0xffff  }
.LBB2_5:
0x26: {  	p0 =	sne.s32 s14, $0x1C0;
	_ =	sdelay $0x4  }
0x27: {  	vm2 =	vgt.s32 v0, $0x0  }
0x28: {  	v0 =	vnsel vm2, $0x0, v0  }
0x29: {  	v0 =	vmin.u32 v0, $0xFFF  }
0x2a: {  	v0 =	vshll.u32 v0, $0x4;
	_ =	sdelay $0x3  }
.Ltmp4:
0x2b: {  	s13 =	sadd.s32 $0x800, s13;
	(pc) =	sbr.rel @p0 .LBB2_5-.Ltmp4, $4  }
0x2c: {  	[tilespmem:s13], [sflag:$0x1] =	stream.indirect_vreg.gather [hbm:s3], $0x80, v0, vm0, $0x38;
	[tilespmem:$0x8100] =	vst v63  }
0x2d: {  	s15 =	sshra.s32 s14, $0x2;
	s16 =	sadd.s32 $0x400, s13  }
0x2e: {  	[tilespmem:s16], [sflag:$0x1] =	stream.indirect_vreg.gather [hbm:s3], $0x80, v0, vm1, $0x38;
	[tilespmem:$0x8100] =	vst v63  }
0x2f: {  	s14 =	sadd.s32 $0x40, s14;
	v0 =	vld.msk [tilespmem:s15+$0x80 ss:$0x1], $0xffff  }
0x30: {  	_ =	sdelay $0x3  }
0x31: {  	vm2 =	vgt.s32 v0, $0x0  }
0x32: {  	v0 =	vnsel vm2, $0x0, v0  }
0x33: {  	v0 =	vmin.u32 v0, $0xFFF  }
0x34: {  	v0 =	vshll.u32 v0, $0x4;
	_ =	sdelay $0x3  }
0x35: {  	s13 =	sadd.s32 $0x800, s13  }
0x36: {  	[tilespmem:s13], [sflag:$0x1] =	stream.indirect_vreg.gather [hbm:s3], $0x80, v0, vm0, $0x38;
	[tilespmem:$0x8100] =	vst v63  }
0x37: {  	s13 =	sadd.s32 $0x400, s13  }
0x38: {  	[tilespmem:s13], [sflag:$0x1] =	stream.indirect_vreg.gather [hbm:s3], $0x80, v0, vm1, $0x38;
	[tilespmem:$0x8100] =	vst v63  }
0x39: {  	s12 =	sshll.u32 s12, $0x4;
	s14 =	simm.s32 $0x80;
	_ =	swait.ge [sflag:s4], $0x4000  }
0x3a: {  	s15 =	simm.s32 $0x4500;
	s12 =	sadd.s32 s12, s7;
	[sflag:s4] =	ssyncset.done $0x0  }
0x3b: {  	s16 =	sadd.s32 $0x0, s12;
	s13 =	simm.s32 $0x4100;
	[sflag:s4] =	ssyncadd.s32 $0xFFFFC000  }
.LBB2_7:
0x3c: {  	[hbm:s16] =	stream.linear.scatter [tilespmem:s13], [sflag:$0x3], $0x400, $0x38;
	[tilespmem:$0x8100] =	vst v63  }
0x3d: {  	s16 =	smov.u32 s14;
	s13 =	smov.u32 s15;
	p0 =	sne.s32 s14, $0x780  }
.Ltmp5:
0x3e: {  	s14 =	sadd.s32 $0x80, s14;
	(pc) =	sbr.rel @p0 .LBB2_7-.Ltmp5, $2  }
0x3f: {  	_ =	sdelay $0x2  }
0x40: {  	s15 =	sadd.s32 $0x400, s15;
	s16 =	sadd.s32 s16, s12  }
.Ltmp6:
0x41: {  	(pc) =	sbr.rel .LBB2_9-.Ltmp6, $2  }
0x42: {  	_ =	sdelay $0x2  }
0x43: {  	[hbm:s16] =	stream.linear.scatter [tilespmem:s13], [sflag:$0x3], $0x400, $0x38;
	[tilespmem:$0x8100] =	vst v63  }
.LBB2_2:
.Ltmp7:
0x44: {  	(pc) =	sbr.rel .LBB2_10-.Ltmp7, $4  }
0x45: {  	_ = 	snop  }
0x46: {  	s12 =	sshrl.u32 s11, $0x3  }
0x47: {  	s13 =	sand.u32 $0x7, s11;
	s12 =	sadd.s32 s2, s12  }
0x48: {  	[tilespmem:s9], [sflag:$0x2] =	stream.linear.gather [hbm4b:s12+s13], $0x80, $0x38;
	[tilespmem:$0x8100] =	vst v63  }
.LBB2_11:
0x49: {  	s2 =	simm.s32 $0x3  }
0x4a: {  	_ =	swait.ge [sflag:s2], $0x4000  }
0x4b: {  	[sflag:s2] =	ssyncset.done $0x0  }
0x4c: {  	[sflag:s2] =	ssyncadd.s32 $0xFFFFC000  }
0x4d: {  	_ =	sfence.sel $0x180000  }
0x4e: {  	s3 =	simm.s32 $0x2;
	[bflag:$0x0] =	sbarrier.arrive $0xFFFF  }
0x4f: {  	[sflag:s3] =	ssyncpa.u1 $0x1  }
0x50: {  	s31 =	simm.s32 $0x1;
	[sflag:s2] =	ssyncpa.u1 $0x1  }
0x51: {  	[sflag:s31] =	ssyncpa.u1 $0x1  }
0x52: {  	p0 =	sne.s32 s1, $0x0;
	_ =	strace $0x9000004A  }
0x53: {  	s0 =	sadd.s32 @!p0 $0x100000, s0;
	[bflag:$0x2] =	sbarrier.arrive $0xFFFF  }
0x54: {  	[sflag:s0] =	ssyncadd.tile.s32 @!p0 $0x1;
	_ =	shalt  }
.Lfunc_end2:
_tile_overlayer_lowered:
.L_overlay_start_2:
0x55: {  	(tag) =	ssettag $0x2  }
0x56: {  	s0 =	rddreg [dreg:$0x0];
	s2 =	stileid.u32  }
0x57: {  	s1 =	rddreg [dreg:$0x1];
	p0 =	sne.s32 s2, $0x0  }
0x58: {  	s3 =	rddreg [dreg:$0x2];
	[bflag:$0x3] =	sbarrier.arrive $0xFFFF;
	s2 =	simm.s32 @!p0 $0x1C01  }
0x59: {  	[timem:s3], [sflag:s2] =	dma.local @!p0 [hbm:s0], s1  }
0x5a: {  	s0 =	simm.s32 @!p0 $0x1  }
0x5b: {  	_ =	swait.ge @!p0 [sflag:s0], s1  }
0x5c: {  	s1 =	ssub.s32 @!p0 $0x0, s1;
	[sflag:s0] =	ssyncset.done @!p0 $0x0  }
0x5d: {  	[sflag:s0] =	ssyncadd.s32 @!p0 s1  }
0x5e: {  	[bflag:$0x3] =	sbarrier.arrive $0xFFFF  }
0x5f: {  	_ =	shalt  }

</sc_bundles>
